<compile_context>
chip_gen: v7x
topology: tpu7x:2x2x1
jax: 0.10.2.dev20260603
libtpu: 0.0.44.dev20260713+nightly
codegen_flags: <defaults>
</compile_context>

<pallas_src>
import functools

import jax
import jax.numpy as jnp
from jax import lax
from jax.experimental import pallas as pl
from jax.experimental.pallas import tpu as pltpu
from jax.experimental.pallas import tpu_sc as plsc

N = 10000
E = 320000
D = 128
R = 16
NB = 4
K = 5000
H = 128
NL = 3
HALF = D // 2

NC = 2
NS = 16
L = 16

_MESH = dict(core_axis_name="c", subcore_axis_name="s")

E_CNT = E // NS
CNT_CH = 157
CNT_CHP = 160
E_OUT = E // (NC * NS)
OUT_CH = 79
OUT_CHP = 80
NRP = 160256
NR_DUMP = 160000


def _cnt_body(dst_hbm, et_hbm, cn_hbm, cnt_sp, dstv, etv, kidx, onesv,
              zbuf, outv, sem):
    cid = lax.axis_index("c")
    sid = lax.axis_index("s")
    wid = sid * NC + cid

    def zb(i, _):
        zbuf[pl.ds(i * 16, 16)] = jnp.zeros((16,), jnp.float32)
        return 0
    lax.fori_loop(0, 10016 // 16, zb, 0)
    for j in range(8):
        onesv[pl.ds(j * 16, 16)] = jnp.ones((16,), jnp.float32)
    pltpu.sync_copy(zbuf, cnt_sp.at[pl.ds(sid * 10016, 10016)])
    plsc.subcore_barrier()

    base = sid * E_CNT
    pltpu.sync_copy(dst_hbm.at[pl.ds(base, E_CNT)], dstv.at[pl.ds(0, E_CNT)])
    pltpu.sync_copy(et_hbm.at[pl.ds(base, E_CNT)], etv.at[pl.ds(0, E_CNT)])

    def build1(ci, _):
        for j in range(8):
            off = ci * 128 + j * 16
            lane = off + lax.iota(jnp.int32, 16)
            kv = dstv[pl.ds(off, 16)] * R + etv[pl.ds(off, 16)]
            kidx[ci, pl.ds(j * 16, 16)] = jnp.where(lane < E_CNT, kv, NR_DUMP)
        return 0
    lax.fori_loop(0, CNT_CHP, build1, 0)

    def fire1(bi, _):
        for u in range(8):
            pltpu.async_copy(onesv, cnt_sp.at[kidx.at[bi * 8 + u]], sem,
                             add=True)
        for u in range(8):
            pltpu.make_async_copy(onesv, cnt_sp.at[kidx.at[bi * 8 + u]],
                                  sem).wait()
        return 0
    lax.fori_loop(0, CNT_CHP // 8, fire1, 0)
    plsc.subcore_barrier()

    base2 = wid * E_OUT
    pltpu.sync_copy(dst_hbm.at[pl.ds(base2, E_OUT)], dstv.at[pl.ds(0, E_OUT)])
    pltpu.sync_copy(et_hbm.at[pl.ds(base2, E_OUT)], etv.at[pl.ds(0, E_OUT)])

    def build2(ci, _):
        for j in range(8):
            off = ci * 128 + j * 16
            lane = off + lax.iota(jnp.int32, 16)
            kv = dstv[pl.ds(off, 16)] * R + etv[pl.ds(off, 16)]
            kidx[ci, pl.ds(j * 16, 16)] = jnp.where(lane < E_OUT, kv, NR_DUMP)
        return 0
    lax.fori_loop(0, OUT_CHP, build2, 0)

    def fire2(bi, _):
        for u in range(8):
            ci = bi * 8 + u
            pltpu.async_copy(cnt_sp.at[kidx.at[ci]],
                             outv.at[pl.ds(ci * 128, 128)], sem)
        for u in range(8):
            ci = bi * 8 + u
            pltpu.make_async_copy(cnt_sp.at[kidx.at[ci]],
                                  outv.at[pl.ds(ci * 128, 128)], sem).wait()
        return 0
    lax.fori_loop(0, OUT_CHP // 8, fire2, 0)

    def clamp(ci, _):
        for j in range(8):
            off = ci * 128 + j * 16
            outv[pl.ds(off, 16)] = jnp.maximum(outv[pl.ds(off, 16)], 1.0)
        return 0
    lax.fori_loop(0, OUT_CHP, clamp, 0)
    pltpu.sync_copy(outv.at[pl.ds(0, E_OUT)], cn_hbm.at[pl.ds(base2, E_OUT)])


@jax.jit
def _edge_counts(dst, et):
    return pl.kernel(
        _cnt_body,
        out_type=jax.ShapeDtypeStruct((E,), jnp.float32),
        mesh=plsc.VectorSubcoreMesh(**_MESH),
        compiler_params=pltpu.CompilerParams(needs_layout_passes=False),
        scratch_types=[
            pltpu.VMEM_SHARED((NRP,), jnp.float32),
            pltpu.VMEM((E_CNT + 96,), jnp.int32),
            pltpu.VMEM((E_CNT + 96,), jnp.int32),
            pltpu.VMEM((CNT_CHP, 128), jnp.int32),
            pltpu.VMEM((128,), jnp.float32),
            pltpu.VMEM((10016,), jnp.float32),
            pltpu.VMEM((OUT_CHP * 128,), jnp.float32),
            pltpu.SemaphoreType.DMA,
        ],
    )(dst, et)


NMP = 10240


def _relabel_body(src_hbm, dst_hbm, attr_hbm, nm_hbm, g_hbm,
                  d2_hbm, vf_hbm, pw_hbm,
                  nmv, gv, srcv, dstv, attrv, vfv, d2ov):
    cid = lax.axis_index("c")
    sid = lax.axis_index("s")
    wid = sid * NC + cid

    pltpu.sync_copy(nm_hbm, nmv.at[pl.ds(0, N)])
    pltpu.sync_copy(g_hbm, gv.at[pl.ds(0, N)])

    ebase = wid * E_OUT
    pltpu.sync_copy(src_hbm.at[pl.ds(ebase, E_OUT)], srcv.at[pl.ds(0, E_OUT)])
    pltpu.sync_copy(dst_hbm.at[pl.ds(ebase, E_OUT)], dstv.at[pl.ds(0, E_OUT)])
    pltpu.sync_copy(attr_hbm.at[pl.ds(ebase, E_OUT)],
                    attrv.at[pl.ds(0, E_OUT)])

    def chunkC(q, _):
        off = q * 16
        lane = off + lax.iota(jnp.int32, 16)
        guard = lane < E_OUT
        sv = jnp.where(guard, srcv[pl.ds(off, 16)], 0)
        dv = jnp.where(guard, dstv[pl.ds(off, 16)], 0)
        ms = plsc.load_gather(nmv, [sv])
        md = plsc.load_gather(nmv, [dv])
        gs = plsc.load_gather(gv, [sv])
        valid = (ms >= 0) & (md >= 0)
        d2ov[pl.ds(off, 16)] = jnp.where(valid, md, 0)
        vfv[pl.ds(off, 16)] = jnp.where(valid, 1.0, 0.0)
        attrv[pl.ds(off, 16)] = jnp.where(valid, attrv[pl.ds(off, 16)] * gs,
                                          0.0)
        return 0
    lax.fori_loop(0, (E_OUT + 15) // 16, chunkC, 0)
    pltpu.sync_copy(d2ov.at[pl.ds(0, E_OUT)], d2_hbm.at[pl.ds(ebase, E_OUT)])
    pltpu.sync_copy(vfv.at[pl.ds(0, E_OUT)], vf_hbm.at[pl.ds(ebase, E_OUT)])
    pltpu.sync_copy(attrv.at[pl.ds(0, E_OUT)], pw_hbm.at[pl.ds(ebase, E_OUT)])


@jax.jit
def _edge_relabel(src, dst, attr, node_map, g):
    return pl.kernel(
        _relabel_body,
        out_type=(
            jax.ShapeDtypeStruct((E,), jnp.int32),
            jax.ShapeDtypeStruct((E,), jnp.float32),
            jax.ShapeDtypeStruct((E,), jnp.float32),
        ),
        mesh=plsc.VectorSubcoreMesh(**_MESH),
        compiler_params=pltpu.CompilerParams(needs_layout_passes=False),
        scratch_types=[
            pltpu.VMEM((NMP,), jnp.int32),
            pltpu.VMEM((NMP,), jnp.float32),
            pltpu.VMEM((E_OUT + 16,), jnp.int32),
            pltpu.VMEM((E_OUT + 16,), jnp.int32),
            pltpu.VMEM((E_OUT + 16,), jnp.float32),
            pltpu.VMEM((E_OUT + 16,), jnp.float32),
            pltpu.VMEM((E_OUT + 16,), jnp.int32),
        ],
    )(src, dst, attr, node_map, g)


def _wnorm_body(d2_hbm, pw_hbm, c2_hbm, w2_hbm, c2v, d2cv, pwv, sem):
    cid = lax.axis_index("c")
    sid = lax.axis_index("s")
    wid = sid * NC + cid
    pltpu.sync_copy(c2_hbm, c2v.at[pl.ds(0, K)])
    ebase = wid * E_OUT
    pltpu.sync_copy(d2_hbm.at[pl.ds(ebase, E_OUT)], d2cv.at[pl.ds(0, E_OUT)])
    pltpu.sync_copy(pw_hbm.at[pl.ds(ebase, E_OUT)], pwv.at[pl.ds(0, E_OUT)])

    def chunk(q, _):
        off = q * 16
        lane = off + lax.iota(jnp.int32, 16)
        dv = jnp.where(lane < E_OUT, d2cv[pl.ds(off, 16)], 0)
        c2 = plsc.load_gather(c2v, [dv])
        pwv[pl.ds(off, 16)] = pwv[pl.ds(off, 16)] / jnp.maximum(c2, 1.0)
        return 0
    lax.fori_loop(0, (E_OUT + 15) // 16, chunk, 0)
    pltpu.sync_copy(pwv.at[pl.ds(0, E_OUT)], w2_hbm.at[pl.ds(ebase, E_OUT)])


@jax.jit
def _weight_norm(d2c, pw, cnt2):
    return pl.kernel(
        _wnorm_body,
        out_type=jax.ShapeDtypeStruct((E,), jnp.float32),
        mesh=plsc.VectorSubcoreMesh(**_MESH),
        compiler_params=pltpu.CompilerParams(needs_layout_passes=False),
        scratch_types=[
            pltpu.VMEM((K + 16,), jnp.float32),
            pltpu.VMEM((E_OUT + 16,), jnp.int32),
            pltpu.VMEM((E_OUT + 16,), jnp.float32),
            pltpu.SemaphoreType.DMA,
        ],
    )(d2c, pw, cnt2)


KP2 = 5120
KD_DUMP = 5000


def _segsum2_body(m2_hbm, d2_hbm, agg_hbm, agg_sp, rowsv, zrows, d2cv, idx2):
    cid = lax.axis_index("c")
    sid = lax.axis_index("s")
    wid = sid * NC + cid

    def zr(r, _):
        for j in range(8):
            zrows[r, pl.ds(j * 16, 16)] = jnp.zeros((16,), jnp.float32)
        return 0
    lax.fori_loop(0, 128, zr, 0)
    rb = sid * 320
    pltpu.sync_copy(zrows, agg_sp.at[pl.ds(rb, 128)])
    pltpu.sync_copy(zrows, agg_sp.at[pl.ds(rb + 128, 128)])
    pltpu.sync_copy(zrows.at[pl.ds(0, 64)], agg_sp.at[pl.ds(rb + 256, 64)])
    plsc.subcore_barrier()

    ebase = wid * E_OUT
    pltpu.sync_copy(d2_hbm.at[pl.ds(ebase, E_OUT)], d2cv.at[pl.ds(0, E_OUT)])

    def build(ci, _):
        for j in range(8):
            off = ci * 128 + j * 16
            lane = off + lax.iota(jnp.int32, 16)
            idx2[ci, pl.ds(j * 16, 16)] = jnp.where(
                lane < E_OUT, d2cv[pl.ds(off, 16)], KD_DUMP)
        return 0
    lax.fori_loop(0, OUT_CH, build, 0)

    def chunk(ci, _):
        pltpu.sync_copy(m2_hbm.at[pl.ds(ebase + ci * 128, 128)], rowsv)
        pltpu.sync_copy(rowsv, agg_sp.at[idx2.at[ci]], add=True)
        return 0
    lax.fori_loop(0, OUT_CH - 1, chunk, 0)
    pltpu.sync_copy(m2_hbm.at[pl.ds(ebase + 9984, 16)],
                    rowsv.at[pl.ds(0, 16)])
    pltpu.sync_copy(rowsv, agg_sp.at[idx2.at[OUT_CH - 1]], add=True)
    plsc.subcore_barrier()

    @pl.when(sid < 15)
    def _():
        pltpu.sync_copy(agg_sp.at[pl.ds(rb, 320)],
                        agg_hbm.at[cid, pl.ds(rb, 320)])

    @pl.when(sid == 15)
    def _():
        pltpu.sync_copy(agg_sp.at[pl.ds(4800, 200)],
                        agg_hbm.at[cid, pl.ds(4800, 200)])


@jax.jit
def _seg_sum2(m2, d2c):
    return pl.kernel(
        _segsum2_body,
        out_type=jax.ShapeDtypeStruct((NC, K, D), jnp.float32),
        mesh=plsc.VectorSubcoreMesh(**_MESH),
        compiler_params=pltpu.CompilerParams(needs_layout_passes=False),
        scratch_types=[
            pltpu.VMEM_SHARED((KP2, D), jnp.float32),
            pltpu.VMEM((128, D), jnp.float32),
            pltpu.VMEM((128, D), jnp.float32),
            pltpu.VMEM((E_OUT + 16,), jnp.int32),
            pltpu.VMEM((OUT_CH, 128), jnp.int32),
        ],
    )(m2, d2c)


BLK2 = 200


def _dense2_body(agg_ref, hp_ref, gp_ref, root_ref, bias_ref,
                 ln_g_ref, ln_b_ref, o_ref):
    xp = hp_ref[...] * gp_ref[...]
    a = agg_ref[...] + jnp.dot(xp, root_ref[...],
                               preferred_element_type=jnp.float32) \
        + bias_ref[...]
    m = jnp.mean(a, axis=-1, keepdims=True)
    d = a - m
    v = jnp.mean(d * d, axis=-1, keepdims=True)
    a = d * jax.lax.rsqrt(v + 1e-5) * ln_g_ref[...] + ln_b_ref[...]
    o_ref[...] = jnp.maximum(a, 0.0)


def _dense2(agg, hp, gp, root, bias, ln_g, ln_b):
    full = lambda shape: pl.BlockSpec(shape, lambda i: (0,) * len(shape))
    return pl.pallas_call(
        _dense2_body,
        grid=(K // BLK2,),
        in_specs=[
            pl.BlockSpec((BLK2, D), lambda i: (i, 0)),
            pl.BlockSpec((BLK2, D), lambda i: (i, 0)),
            pl.BlockSpec((BLK2, 1), lambda i: (i, 0)),
            full((D, D)),
            full((1, D)), full((1, D)), full((1, D)),
        ],
        out_specs=pl.BlockSpec((BLK2, D), lambda i: (i, 0)),
        out_shape=jax.ShapeDtypeStruct((K, D), jnp.float32),
    )(agg, hp, gp, root, bias, ln_g, ln_b)


def kernel(x, edge_index, edge_type, edge_attr, rgcn1_basis, rgcn1_comp,
           rgcn1_root, rgcn1_bias, rgcn2_basis, rgcn2_comp, rgcn2_root,
           rgcn2_bias, ln1_g, ln1_b, ln2_g, ln2_b, cf_W1, cf_b1, cf_W2,
           cf_b2, pool_p):
    src, dst = edge_index[0], edge_index[1]

    cn = _edge_counts(dst, edge_type)
    W1 = jnp.einsum('rb,bdf->rdf', rgcn1_comp, rgcn1_basis)
    Xr = jnp.einsum('nd,rdf->rnf', x, W1)
    m = Xr.reshape(R * N, D)[edge_type * N + src] * edge_attr[:, None]
    m = m / cn[:, None]
    agg = jax.ops.segment_sum(m, dst, num_segments=N)

    h = agg + x @ rgcn1_root + rgcn1_bias
    mm = jnp.mean(h, axis=-1, keepdims=True)
    vv = jnp.var(h, axis=-1, keepdims=True)
    h = (h - mm) / jnp.sqrt(vv + 1e-5) * ln1_g + ln1_b
    h = jax.nn.relu(h)
    for i in range(NL):
        x1, x2 = h[:, :HALF], h[:, HALF:]
        t = jax.nn.relu(x1 @ cf_W1[i] + cf_b1[i]) @ cf_W2[i] + cf_b2[i]
        h = jnp.concatenate([x2 + t, x1], axis=1)
    s = h @ pool_p / jnp.linalg.norm(pool_p)
    g = jnp.tanh(s)
    W2_0 = jnp.einsum('b,bdf->df', rgcn2_comp[0], rgcn2_basis)
    z = h @ W2_0

    sval, perm = jax.lax.top_k(s, K)

    node_map = jnp.full((N,), -1, jnp.int32).at[perm].set(
        jnp.arange(K, dtype=jnp.int32))
    d2c, vf, pw = _edge_relabel(src, dst, edge_attr, node_map, g)
    gp = jnp.tanh(sval)
    cnt2 = jax.ops.segment_sum(vf, d2c, num_segments=K)
    w2 = _weight_norm(d2c, pw, cnt2)
    hp = h[perm]
    m2 = z[src] * w2[:, None]
    parts = _seg_sum2(m2, d2c)
    agg2 = parts[0] + parts[1]

    return _dense2(agg2, hp, gp[:, None], rgcn2_root,
                   rgcn2_bias[None, :], ln2_g[None, :], ln2_b[None, :])

# --- scband reference (transcript-rebuilt; emitter-appended) ---
"""Pipeline reference for scband-nsmmodel-6828998000913 (READ-ONLY COPY).

The authoritative reference and input builder live on the scoring server;
editing this copy changes nothing except your own understanding.
"""

import jax, jax.numpy as jnp
import numpy as np

N = 10000
E = 320000
D = 128
R = 16
NB = 4
K = 5000
H = 128
NL = 3
HALF = D // 2


def setup_inputs(seed: int = 0):
    key = jax.random.key(seed)
    ks = jax.random.split(key, 24)
    s = 0.05
    inp = {}
    inp["x"] = jax.random.normal(ks[0], (N, D), jnp.float32)
    inp["edge_index"] = jax.random.randint(ks[1], (2, E), 0, N, jnp.int32)
    inp["edge_type"] = jax.random.randint(ks[2], (E,), 0, R, jnp.int32)
    inp["edge_attr"] = jax.random.uniform(ks[3], (E,), jnp.float32)
    inp["rgcn1_basis"] = jax.random.normal(ks[4], (NB, D, D), jnp.float32) * s
    inp["rgcn1_comp"] = jax.random.normal(ks[5], (R, NB), jnp.float32)
    inp["rgcn1_root"] = jax.random.normal(ks[6], (D, D), jnp.float32) * s
    inp["rgcn1_bias"] = jnp.zeros((D,), jnp.float32)
    inp["rgcn2_basis"] = jax.random.normal(ks[7], (NB, D, D), jnp.float32) * s
    inp["rgcn2_comp"] = jax.random.normal(ks[8], (R, NB), jnp.float32)
    inp["rgcn2_root"] = jax.random.normal(ks[9], (D, D), jnp.float32) * s
    inp["rgcn2_bias"] = jnp.zeros((D,), jnp.float32)
    inp["ln1_g"] = jnp.ones((D,), jnp.float32)
    inp["ln1_b"] = jnp.zeros((D,), jnp.float32)
    inp["ln2_g"] = jnp.ones((D,), jnp.float32)
    inp["ln2_b"] = jnp.zeros((D,), jnp.float32)
    inp["cf_W1"] = jax.random.normal(ks[10], (NL, HALF, H), jnp.float32) * s
    inp["cf_b1"] = jnp.zeros((NL, H), jnp.float32)
    inp["cf_W2"] = jax.random.normal(ks[11], (NL, H, HALF), jnp.float32) * s
    inp["cf_b2"] = jnp.zeros((NL, HALF), jnp.float32)
    inp["pool_p"] = jax.random.normal(ks[12], (D,), jnp.float32)
    return inp


def _layernorm(x, g, b):
    m = jnp.mean(x, axis=-1, keepdims=True)
    v = jnp.var(x, axis=-1, keepdims=True)
    return (x - m) / jnp.sqrt(v + 1e-5) * g + b


def _rgcn(x, src, dst, etype, conf, cntw, basis, comp, root, bias, nnodes):
    # basis-decomposed relation weights: W_r = sum_b comp[r,b] * basis[b]
    W = jnp.einsum('rb,bdf->rdf', comp, basis)
    Xr = jnp.einsum('nd,rdf->rnf', x, W)
    # per-edge message: relation-transformed source feature, confidence-weighted
    m = Xr[etype, src] * conf[:, None]
    # mean aggregation per (dst, relation)
    keyid = dst * R + etype
    cnt = jax.ops.segment_sum(cntw, keyid, num_segments=nnodes * R)
    cnt = jnp.maximum(cnt, 1.0)
    m = m / cnt[keyid][:, None]
    agg = jax.ops.segment_sum(m, dst, num_segments=nnodes)
    return agg + x @ root + bias


def _coupling_fwd(x, W1, b1, W2, b2):
    # additive coupling layers with half-split and swap (invertible)
    for i in range(NL):
        x1, x2 = x[:, :HALF], x[:, HALF:]
        t = jax.nn.relu(x1 @ W1[i] + b1[i]) @ W2[i] + b2[i]
        x = jnp.concatenate([x2 + t, x1], axis=1)
    return x


def reference(x, edge_index, edge_type, edge_attr, rgcn1_basis, rgcn1_comp,
              rgcn1_root, rgcn1_bias, rgcn2_basis, rgcn2_comp, rgcn2_root,
              rgcn2_bias, ln1_g, ln1_b, ln2_g, ln2_b, cf_W1, cf_b1, cf_W2,
              cf_b2, pool_p):
    src, dst = edge_index[0], edge_index[1]
    # L1 R-GCN + norm + relu (dropout is identity at inference)
    h = _rgcn(x, src, dst, edge_type, edge_attr, jnp.ones_like(edge_attr),
              rgcn1_basis, rgcn1_comp, rgcn1_root, rgcn1_bias, N)
    h = _layernorm(h, ln1_g, ln1_b)
    h = jax.nn.relu(h)
    # invertible coupling transform
    h = _coupling_fwd(h, cf_W1, cf_b1, cf_W2, cf_b2)
    # TopK graph pooling (WHY): score projection, select K nodes, gate by tanh(score)
    s = h @ pool_p / jnp.linalg.norm(pool_p)
    sval, perm = jax.lax.top_k(s, K)
    xp = h[perm] * jnp.tanh(sval)[:, None]
    # relabel edges to pooled graph; keep static shape, mask dropped edges
    node_map = jnp.full((N,), -1, jnp.int32).at[perm].set(jnp.arange(K, dtype=jnp.int32))
    s2 = node_map[src]
    d2 = node_map[dst]
    valid = (s2 >= 0) & (d2 >= 0)
    vf = valid.astype(jnp.float32)
    s2c = jnp.where(valid, s2, 0)
    d2c = jnp.where(valid, d2, 0)
    et2 = jnp.zeros((E,), jnp.int32)
    conf2 = edge_attr * vf
    # L2 R-GCN on abstract graph (single relation type 0) + norm + relu
    xa = _rgcn(xp, s2c, d2c, et2, conf2, vf, rgcn2_basis, rgcn2_comp,
               rgcn2_root, rgcn2_bias, K)
    xa = _layernorm(xa, ln2_g, ln2_b)
    xa = jax.nn.relu(xa)
    return xa

if __name__ == "__main__":
    import jax
    _d = setup_inputs()
    print(jax.jit(kernel)(*tuple(_d.values())))

</pallas_src>

<mosaic_0001>
#map = affine_map<(d0, d1) -> (0)>
module attributes {stable_mosaic.version = 14 : i64} {
  func.func @_cnt_body(%arg0: i32, %arg1: i32, %arg2: memref<320000xi32, #tpu.memory_space<hbm>>, %arg3: memref<320000xi32, #tpu.memory_space<hbm>>, %arg4: memref<320000xf32, #tpu.memory_space<hbm>>, %arg5: memref<160256xf32, #tpu.memory_space<vmem_shared>>, %arg6: memref<20096xi32, #tpu.memory_space<vmem>>, %arg7: memref<20096xi32, #tpu.memory_space<vmem>>, %arg8: memref<160x128xi32, #tpu.memory_space<vmem>>, %arg9: memref<128xf32, #tpu.memory_space<vmem>>, %arg10: memref<10016xf32, #tpu.memory_space<vmem>>, %arg11: memref<10240xf32, #tpu.memory_space<vmem>>, %arg12: memref<!tpu.dma_semaphore, #tpu.memory_space<semaphore_mem>>) attributes {dimension_semantics = [#tpu.dimension_semantics<core_parallel>, #tpu.dimension_semantics<subcore_parallel>], iteration_bounds = array<i64: 2, 16>, scalar_prefetch = 0 : i64, scratch_operands = 8 : i64, tpu.core_type = #tpu.core_type<sc_vector_subcore>, window_params = [{transform_indices = #map}, {transform_indices = #map}, {transform_indices = #map}]} {
    %mul3A = arith.constant 2 : i32
    %mul3A_0 = arith.muli %arg1, %mul3A : i32
    %add3A = arith.addi %mul3A_0, %arg0 : i32
    %scan3A = arith.constant 0 : i32
    %scan3A_1 = arith.constant 0 : i32
    %scan3A_2 = arith.constant 626 : i32
    %scan3A_3 = arith.addi %scan3A_1, %scan3A_2 : i32
    %scan3A_4 = arith.constant 1 : i32
    %scan3A_5 = scf.for %scan3A_79 = %scan3A_1 to %scan3A_3 step %scan3A_4 iter_args(%scan3A_80 = %scan3A) -> (i32)  : i32 {
      %broadcast_in_dim3A_81 = arith.constant 0.000000e+00 : f32
      %broadcast_in_dim3A_82 = vector.broadcast %broadcast_in_dim3A_81 : f32 to vector<16xf32>
      %mul3A_83 = arith.constant 16 : i32
      %mul3A_84 = arith.muli %scan3A_79, %mul3A_83 : i32
      %swap3A_85 = arith.index_cast %mul3A_84 : i32 to index
      %swap3A_86 = tpu.vector_load %arg10[%swap3A_85] {strides = array<i32>} : memref<10016xf32, #tpu.memory_space<vmem>>, vector<16xf32>,
      tpu.vector_store %arg10[%swap3A_85], %broadcast_in_dim3A_82 {strides = array<i32>} : memref<10016xf32, #tpu.memory_space<vmem>>, vector<16xf32>,
      %scan3A_87 = arith.constant 0 : i32
      scf.yield %scan3A_87 : i32
    }
    %scan3A_6 = arith.constant 626 : i32
    %broadcast_in_dim3A = arith.constant 1.000000e+00 : f32
    %broadcast_in_dim3A_7 = vector.broadcast %broadcast_in_dim3A : f32 to vector<16xf32>
    %swap3A = arith.constant 0 : index
    %swap3A_8 = tpu.vector_load %arg9[%swap3A] {strides = array<i32>} : memref<128xf32, #tpu.memory_space<vmem>>, vector<16xf32>,
    tpu.vector_store %arg9[%swap3A], %broadcast_in_dim3A_7 {strides = array<i32>} : memref<128xf32, #tpu.memory_space<vmem>>, vector<16xf32>,
    %broadcast_in_dim3A_9 = arith.constant 1.000000e+00 : f32
    %broadcast_in_dim3A_10 = vector.broadcast %broadcast_in_dim3A_9 : f32 to vector<16xf32>
    %swap3A_11 = arith.constant 16 : index
    %swap3A_12 = tpu.vector_load %arg9[%swap3A_11] {strides = array<i32>} : memref<128xf32, #tpu.memory_space<vmem>>, vector<16xf32>,
    tpu.vector_store %arg9[%swap3A_11], %broadcast_in_dim3A_10 {strides = array<i32>} : memref<128xf32, #tpu.memory_space<vmem>>, vector<16xf32>,
    %broadcast_in_dim3A_13 = arith.constant 1.000000e+00 : f32
    %broadcast_in_dim3A_14 = vector.broadcast %broadcast_in_dim3A_13 : f32 to vector<16xf32>
    %swap3A_15 = arith.constant 32 : index
    %swap3A_16 = tpu.vector_load %arg9[%swap3A_15] {strides = array<i32>} : memref<128xf32, #tpu.memory_space<vmem>>, vector<16xf32>,
    tpu.vector_store %arg9[%swap3A_15], %broadcast_in_dim3A_14 {strides = array<i32>} : memref<128xf32, #tpu.memory_space<vmem>>, vector<16xf32>,
    %broadcast_in_dim3A_17 = arith.constant 1.000000e+00 : f32
    %broadcast_in_dim3A_18 = vector.broadcast %broadcast_in_dim3A_17 : f32 to vector<16xf32>
    %swap3A_19 = arith.constant 48 : index
    %swap3A_20 = tpu.vector_load %arg9[%swap3A_19] {strides = array<i32>} : memref<128xf32, #tpu.memory_space<vmem>>, vector<16xf32>,
    tpu.vector_store %arg9[%swap3A_19], %broadcast_in_dim3A_18 {strides = array<i32>} : memref<128xf32, #tpu.memory_space<vmem>>, vector<16xf32>,
    %broadcast_in_dim3A_21 = arith.constant 1.000000e+00 : f32
    %broadcast_in_dim3A_22 = vector.broadcast %broadcast_in_dim3A_21 : f32 to vector<16xf32>
    %swap3A_23 = arith.constant 64 : index
    %swap3A_24 = tpu.vector_load %arg9[%swap3A_23] {strides = array<i32>} : memref<128xf32, #tpu.memory_space<vmem>>, vector<16xf32>,
    tpu.vector_store %arg9[%swap3A_23], %broadcast_in_dim3A_22 {strides = array<i32>} : memref<128xf32, #tpu.memory_space<vmem>>, vector<16xf32>,
    %broadcast_in_dim3A_25 = arith.constant 1.000000e+00 : f32
    %broadcast_in_dim3A_26 = vector.broadcast %broadcast_in_dim3A_25 : f32 to vector<16xf32>
    %swap3A_27 = arith.constant 80 : index
    %swap3A_28 = tpu.vector_load %arg9[%swap3A_27] {strides = array<i32>} : memref<128xf32, #tpu.memory_space<vmem>>, vector<16xf32>,
    tpu.vector_store %arg9[%swap3A_27], %broadcast_in_dim3A_26 {strides = array<i32>} : memref<128xf32, #tpu.memory_space<vmem>>, vector<16xf32>,
    %broadcast_in_dim3A_29 = arith.constant 1.000000e+00 : f32
    %broadcast_in_dim3A_30 = vector.broadcast %broadcast_in_dim3A_29 : f32 to vector<16xf32>
    %swap3A_31 = arith.constant 96 : index
    %swap3A_32 = tpu.vector_load %arg9[%swap3A_31] {strides = array<i32>} : memref<128xf32, #tpu.memory_space<vmem>>, vector<16xf32>,
    tpu.vector_store %arg9[%swap3A_31], %broadcast_in_dim3A_30 {strides = array<i32>} : memref<128xf32, #tpu.memory_space<vmem>>, vector<16xf32>,
    %broadcast_in_dim3A_33 = arith.constant 1.000000e+00 : f32
    %broadcast_in_dim3A_34 = vector.broadcast %broadcast_in_dim3A_33 : f32 to vector<16xf32>
    %swap3A_35 = arith.constant 112 : index
    %swap3A_36 = tpu.vector_load %arg9[%swap3A_35] {strides = array<i32>} : memref<128xf32, #tpu.memory_space<vmem>>, vector<16xf32>,
    tpu.vector_store %arg9[%swap3A_35], %broadcast_in_dim3A_34 {strides = array<i32>} : memref<128xf32, #tpu.memory_space<vmem>>, vector<16xf32>,
    %mul3A_37 = arith.constant 10016 : i32
    %mul3A_38 = arith.muli %arg1, %mul3A_37 : i32
    "tpu.region"() ({
      %run_scoped3A = tpu.sem_alloc : memref<!tpu.dma_semaphore, #tpu.memory_space<semaphore_mem>>
      %dma_start3A = tpu.memref_slice %arg5[%mul3A_38] : memref<160256xf32, #tpu.memory_space<vmem_shared>> -> memref<10016xf32, #tpu.memory_space<vmem_shared>>
      %dma_start3A_79 = tpu.memref_slice %arg5[%mul3A_38] : memref<160256xf32, #tpu.memory_space<vmem_shared>> -> memref<10016xf32, #tpu.memory_space<vmem_shared>>
      tpu.enqueue_dma source(%arg10 : memref<10016xf32, #tpu.memory_space<vmem>>) target(%dma_start3A_79 : memref<10016xf32, #tpu.memory_space<vmem_shared>>) target_semaphore(%run_scoped3A : memref<!tpu.dma_semaphore, #tpu.memory_space<semaphore_mem>>)
      %dma_wait3A = tpu.memref_slice %arg5[%mul3A_38] : memref<160256xf32, #tpu.memory_space<vmem_shared>> -> memref<10016xf32, #tpu.memory_space<vmem_shared>>
      %dma_wait3A_80 = tpu.memref_slice %arg5[%mul3A_38] : memref<160256xf32, #tpu.memory_space<vmem_shared>> -> memref<10016xf32, #tpu.memory_space<vmem_shared>>
      tpu.wait_dma2 semaphore(%run_scoped3A : memref<!tpu.dma_semaphore, #tpu.memory_space<semaphore_mem>>) src(%arg10 : memref<10016xf32, #tpu.memory_space<vmem>>) dst(%dma_wait3A_80 : memref<10016xf32, #tpu.memory_space<vmem_shared>>)
      tpu.yield
    }) : () -> ()
    %barrier3A = arith.constant 0 : index
    tpu.barrier barrier_id(%barrier3A)
    %mul3A_39 = arith.constant 20000 : i32
    %mul3A_40 = arith.muli %arg1, %mul3A_39 : i32
    "tpu.region"() ({
      %run_scoped3A = tpu.sem_alloc : memref<!tpu.dma_semaphore, #tpu.memory_space<semaphore_mem>>
      %dma_start3A = arith.constant 0 : i32
      %dma_start3A_79 = tpu.memref_slice %arg6[%dma_start3A] : memref<20096xi32, #tpu.memory_space<vmem>> -> memref<20000xi32, #tpu.memory_space<vmem>>
      %dma_start3A_80 = tpu.memref_slice %arg2[%mul3A_40] : memref<320000xi32, #tpu.memory_space<hbm>> -> memref<20000xi32, #tpu.memory_space<hbm>>
      %dma_start3A_81 = arith.constant 0 : i32
      %dma_start3A_82 = tpu.memref_slice %arg6[%dma_start3A_81] : memref<20096xi32, #tpu.memory_space<vmem>> -> memref<20000xi32, #tpu.memory_space<vmem>>
      %dma_start3A_83 = tpu.memref_slice %arg2[%mul3A_40] : memref<320000xi32, #tpu.memory_space<hbm>> -> memref<20000xi32, #tpu.memory_space<hbm>>
      tpu.enqueue_dma source(%dma_start3A_83 : memref<20000xi32, #tpu.memory_space<hbm>>) target(%dma_start3A_82 : memref<20000xi32, #tpu.memory_space<vmem>>) target_semaphore(%run_scoped3A : memref<!tpu.dma_semaphore, #tpu.memory_space<semaphore_mem>>)
      %dma_wait3A = arith.constant 0 : i32
      %dma_wait3A_84 = tpu.memref_slice %arg6[%dma_wait3A] : memref<20096xi32, #tpu.memory_space<vmem>> -> memref<20000xi32, #tpu.memory_space<vmem>>
      %dma_wait3A_85 = tpu.memref_slice %arg2[%mul3A_40] : memref<320000xi32, #tpu.memory_space<hbm>> -> memref<20000xi32, #tpu.memory_space<hbm>>
      %dma_wait3A_86 = arith.constant 0 : i32
      %dma_wait3A_87 = tpu.memref_slice %arg6[%dma_wait3A_86] : memref<20096xi32, #tpu.memory_space<vmem>> -> memref<20000xi32, #tpu.memory_space<vmem>>
      %dma_wait3A_88 = tpu.memref_slice %arg2[%mul3A_40] : memref<320000xi32, #tpu.memory_space<hbm>> -> memref<20000xi32, #tpu.memory_space<hbm>>
      tpu.wait_dma2 semaphore(%run_scoped3A : memref<!tpu.dma_semaphore, #tpu.memory_space<semaphore_mem>>) src(%dma_wait3A_88 : memref<20000xi32, #tpu.memory_space<hbm>>) dst(%dma_wait3A_87 : memref<20000xi32, #tpu.memory_space<vmem>>)
      tpu.yield
    }) : () -> ()
    "tpu.region"() ({
      %run_scoped3A = tpu.sem_alloc : memref<!tpu.dma_semaphore, #tpu.memory_space<semaphore_mem>>
      %dma_start3A = arith.constant 0 : i32
      %dma_start3A_79 = tpu.memref_slice %arg7[%dma_start3A] : memref<20096xi32, #tpu.memory_space<vmem>> -> memref<20000xi32, #tpu.memory_space<vmem>>
      %dma_start3A_80 = tpu.memref_slice %arg3[%mul3A_40] : memref<320000xi32, #tpu.memory_space<hbm>> -> memref<20000xi32, #tpu.memory_space<hbm>>
      %dma_start3A_81 = arith.constant 0 : i32
      %dma_start3A_82 = tpu.memref_slice %arg7[%dma_start3A_81] : memref<20096xi32, #tpu.memory_space<vmem>> -> memref<20000xi32, #tpu.memory_space<vmem>>
      %dma_start3A_83 = tpu.memref_slice %arg3[%mul3A_40] : memref<320000xi32, #tpu.memory_space<hbm>> -> memref<20000xi32, #tpu.memory_space<hbm>>
      tpu.enqueue_dma source(%dma_start3A_83 : memref<20000xi32, #tpu.memory_space<hbm>>) target(%dma_start3A_82 : memref<20000xi32, #tpu.memory_space<vmem>>) target_semaphore(%run_scoped3A : memref<!tpu.dma_semaphore, #tpu.memory_space<semaphore_mem>>)
      %dma_wait3A = arith.constant 0 : i32
      %dma_wait3A_84 = tpu.memref_slice %arg7[%dma_wait3A] : memref<20096xi32, #tpu.memory_space<vmem>> -> memref<20000xi32, #tpu.memory_space<vmem>>
      %dma_wait3A_85 = tpu.memref_slice %arg3[%mul3A_40] : memref<320000xi32, #tpu.memory_space<hbm>> -> memref<20000xi32, #tpu.memory_space<hbm>>
      %dma_wait3A_86 = arith.constant 0 : i32
      %dma_wait3A_87 = tpu.memref_slice %arg7[%dma_wait3A_86] : memref<20096xi32, #tpu.memory_space<vmem>> -> memref<20000xi32, #tpu.memory_space<vmem>>
      %dma_wait3A_88 = tpu.memref_slice %arg3[%mul3A_40] : memref<320000xi32, #tpu.memory_space<hbm>> -> memref<20000xi32, #tpu.memory_space<hbm>>
      tpu.wait_dma2 semaphore(%run_scoped3A : memref<!tpu.dma_semaphore, #tpu.memory_space<semaphore_mem>>) src(%dma_wait3A_88 : memref<20000xi32, #tpu.memory_space<hbm>>) dst(%dma_wait3A_87 : memref<20000xi32, #tpu.memory_space<vmem>>)
      tpu.yield
    }) : () -> ()
    %scan3A_41 = arith.constant 0 : i32
    %scan3A_42 = arith.constant 0 : i32
    %scan3A_43 = arith.constant 160 : i32
    %scan3A_44 = arith.addi %scan3A_42, %scan3A_43 : i32
    %scan3A_45 = arith.constant 1 : i32
    %scan3A_46 = scf.for %scan3A_79 = %scan3A_42 to %scan3A_44 step %scan3A_45 iter_args(%scan3A_80 = %scan3A_41) -> (i32)  : i32 {
      %mul3A_81 = arith.constant 128 : i32
      %mul3A_82 = arith.muli %scan3A_79, %mul3A_81 : i32
      %add3A_83 = arith.constant 0 : i32
      %add3A_84 = arith.addi %mul3A_82, %add3A_83 : i32
      %iota3A = tpu.iota {dimensions = array<i32: 0>} : vector<16xi32>
      %add3A_85 = vector.broadcast %add3A_84 : i32 to vector<16xi32>
      %add3A_86 = arith.addi %add3A_85, %iota3A : vector<16xi32>
      %get3A = arith.index_cast %add3A_84 : i32 to index
      %get3A_87 = tpu.vector_load %arg6[%get3A] {strides = array<i32>} : memref<20096xi32, #tpu.memory_space<vmem>>, vector<16xi32>,
      %mul3A_88 = arith.constant 16 : i32
      %mul3A_89 = vector.broadcast %mul3A_88 : i32 to vector<16xi32>
      %mul3A_90 = arith.muli %get3A_87, %mul3A_89 : vector<16xi32>
      %get3A_91 = arith.index_cast %add3A_84 : i32 to index
      %get3A_92 = tpu.vector_load %arg7[%get3A_91] {strides = array<i32>} : memref<20096xi32, #tpu.memory_space<vmem>>, vector<16xi32>,
      %add3A_93 = arith.addi %mul3A_90, %get3A_92 : vector<16xi32>
      %lt3A = arith.constant 20000 : i32
      %lt3A_94 = vector.broadcast %lt3A : i32 to vector<16xi32>
      %lt3A_95 = arith.cmpi slt, %add3A_86, %lt3A_94 : vector<16xi32>
      %jit3A = arith.constant 160000 : i32
      %broadcast_in_dim3A_96 = vector.broadcast %jit3A : i32 to vector<16xi32>
      %select_n3A = arith.select %lt3A_95, %add3A_93, %broadcast_in_dim3A_96 : vector<16xi1>, vector<16xi32>
      %swap3A_97 = arith.index_cast %scan3A_79 : i32 to index
      %swap3A_98 = arith.constant 0 : index
      %swap3A_99 = tpu.vector_load %arg8[%swap3A_97, %swap3A_98] {strides = array<i32>} : memref<160x128xi32, #tpu.memory_space<vmem>>, vector<16xi32>,
      tpu.vector_store %arg8[%swap3A_97, %swap3A_98], %select_n3A {strides = array<i32>} : memref<160x128xi32, #tpu.memory_space<vmem>>, vector<16xi32>,
      %mul3A_100 = arith.constant 128 : i32
      %mul3A_101 = arith.muli %scan3A_79, %mul3A_100 : i32
      %add3A_102 = arith.constant 16 : i32
      %add3A_103 = arith.addi %mul3A_101, %add3A_102 : i32
      %iota3A_104 = tpu.iota {dimensions = array<i32: 0>} : vector<16xi32>
      %add3A_105 = vector.broadcast %add3A_103 : i32 to vector<16xi32>
      %add3A_106 = arith.addi %add3A_105, %iota3A_104 : vector<16xi32>
      %get3A_107 = arith.index_cast %add3A_103 : i32 to index
      %get3A_108 = tpu.vector_load %arg6[%get3A_107] {strides = array<i32>} : memref<20096xi32, #tpu.memory_space<vmem>>, vector<16xi32>,
      %mul3A_109 = arith.constant 16 : i32
      %mul3A_110 = vector.broadcast %mul3A_109 : i32 to vector<16xi32>
      %mul3A_111 = arith.muli %get3A_108, %mul3A_110 : vector<16xi32>
      %get3A_112 = arith.index_cast %add3A_103 : i32 to index
      %get3A_113 = tpu.vector_load %arg7[%get3A_112] {strides = array<i32>} : memref<20096xi32, #tpu.memory_space<vmem>>, vector<16xi32>,
      %add3A_114 = arith.addi %mul3A_111, %get3A_113 : vector<16xi32>
      %lt3A_115 = arith.constant 20000 : i32
      %lt3A_116 = vector.broadcast %lt3A_115 : i32 to vector<16xi32>
      %lt3A_117 = arith.cmpi slt, %add3A_106, %lt3A_116 : vector<16xi32>
      %jit3A_118 = arith.constant 160000 : i32
      %broadcast_in_dim3A_119 = vector.broadcast %jit3A_118 : i32 to vector<16xi32>
      %select_n3A_120 = arith.select %lt3A_117, %add3A_114, %broadcast_in_dim3A_119 : vector<16xi1>, vector<16xi32>
      %swap3A_121 = arith.index_cast %scan3A_79 : i32 to index
      %swap3A_122 = arith.constant 16 : index
      %swap3A_123 = tpu.vector_load %arg8[%swap3A_121, %swap3A_122] {strides = array<i32>} : memref<160x128xi32, #tpu.memory_space<vmem>>, vector<16xi32>,
      tpu.vector_store %arg8[%swap3A_121, %swap3A_122], %select_n3A_120 {strides = array<i32>} : memref<160x128xi32, #tpu.memory_space<vmem>>, vector<16xi32>,
      %mul3A_124 = arith.constant 128 : i32
      %mul3A_125 = arith.muli %scan3A_79, %mul3A_124 : i32
      %add3A_126 = arith.constant 32 : i32
      %add3A_127 = arith.addi %mul3A_125, %add3A_126 : i32
      %iota3A_128 = tpu.iota {dimensions = array<i32: 0>} : vector<16xi32>
      %add3A_129 = vector.broadcast %add3A_127 : i32 to vector<16xi32>
      %add3A_130 = arith.addi %add3A_129, %iota3A_128 : vector<16xi32>
      %get3A_131 = arith.index_cast %add3A_127 : i32 to index
      %get3A_132 = tpu.vector_load %arg6[%get3A_131] {strides = array<i32>} : memref<20096xi32, #tpu.memory_space<vmem>>, vector<16xi32>,
      %mul3A_133 = arith.constant 16 : i32
      %mul3A_134 = vector.broadcast %mul3A_133 : i32 to vector<16xi32>
      %mul3A_135 = arith.muli %get3A_132, %mul3A_134 : vector<16xi32>
      %get3A_136 = arith.index_cast %add3A_127 : i32 to index
      %get3A_137 = tpu.vector_load %arg7[%get3A_136] {strides = array<i32>} : memref<20096xi32, #tpu.memory_space<vmem>>, vector<16xi32>,
      %add3A_138 = arith.addi %mul3A_135, %get3A_137 : vector<16xi32>
      %lt3A_139 = arith.constant 20000 : i32
      %lt3A_140 = vector.broadcast %lt3A_139 : i32 to vector<16xi32>
      %lt3A_141 = arith.cmpi slt, %add3A_130, %lt3A_140 : vector<16xi32>
      %jit3A_142 = arith.constant 160000 : i32
      %broadcast_in_dim3A_143 = vector.broadcast %jit3A_142 : i32 to vector<16xi32>
      %select_n3A_144 = arith.select %lt3A_141, %add3A_138, %broadcast_in_dim3A_143 : vector<16xi1>, vector<16xi32>
      %swap3A_145 = arith.index_cast %scan3A_79 : i32 to index
      %swap3A_146 = arith.constant 32 : index
      %swap3A_147 = tpu.vector_load %arg8[%swap3A_145, %swap3A_146] {strides = array<i32>} : memref<160x128xi32, #tpu.memory_space<vmem>>, vector<16xi32>,
      tpu.vector_store %arg8[%swap3A_145, %swap3A_146], %select_n3A_144 {strides = array<i32>} : memref<160x128xi32, #tpu.memory_space<vmem>>, vector<16xi32>,
      %mul3A_148 = arith.constant 128 : i32
      %mul3A_149 = arith.muli %scan3A_79, %mul3A_148 : i32
      %add3A_150 = arith.constant 48 : i32
      %add3A_151 = arith.addi %mul3A_149, %add3A_150 : i32
      %iota3A_152 = tpu.iota {dimensions = array<i32: 0>} : vector<16xi32>
      %add3A_153 = vector.broadcast %add3A_151 : i32 to vector<16xi32>
      %add3A_154 = arith.addi %add3A_153, %iota3A_152 : vector<16xi32>
      %get3A_155 = arith.index_cast %add3A_151 : i32 to index
      %get3A_156 = tpu.vector_load %arg6[%get3A_155] {strides = array<i32>} : memref<20096xi32, #tpu.memory_space<vmem>>, vector<16xi32>,
      %mul3A_157 = arith.constant 16 : i32
      %mul3A_158 = vector.broadcast %mul3A_157 : i32 to vector<16xi32>
      %mul3A_159 = arith.muli %get3A_156, %mul3A_158 : vector<16xi32>
      %get3A_160 = arith.index_cast %add3A_151 : i32 to index
      %get3A_161 = tpu.vector_load %arg7[%get3A_160] {strides = array<i32>} : memref<20096xi32, #tpu.memory_space<vmem>>, vector<16xi32>,
      %add3A_162 = arith.addi %mul3A_159, %get3A_161 : vector<16xi32>
      %lt3A_163 = arith.constant 20000 : i32
      %lt3A_164 = vector.broadcast %lt3A_163 : i32 to vector<16xi32>
      %lt3A_165 = arith.cmpi slt, %add3A_154, %lt3A_164 : vector<16xi32>
      %jit3A_166 = arith.constant 160000 : i32
      %broadcast_in_dim3A_167 = vector.broadcast %jit3A_166 : i32 to vector<16xi32>
      %select_n3A_168 = arith.select %lt3A_165, %add3A_162, %broadcast_in_dim3A_167 : vector<16xi1>, vector<16xi32>
      %swap3A_169 = arith.index_cast %scan3A_79 : i32 to index
      %swap3A_170 = arith.constant 48 : index
      %swap3A_171 = tpu.vector_load %arg8[%swap3A_169, %swap3A_170] {strides = array<i32>} : memref<160x128xi32, #tpu.memory_space<vmem>>, vector<16xi32>,
      tpu.vector_store %arg8[%swap3A_169, %swap3A_170], %select_n3A_168 {strides = array<i32>} : memref<160x128xi32, #tpu.memory_space<vmem>>, vector<16xi32>,
      %mul3A_172 = arith.constant 128 : i32
      %mul3A_173 = arith.muli %scan3A_79, %mul3A_172 : i32
      %add3A_174 = arith.constant 64 : i32
      %add3A_175 = arith.addi %mul3A_173, %add3A_174 : i32
      %iota3A_176 = tpu.iota {dimensions = array<i32: 0>} : vector<16xi32>
      %add3A_177 = vector.broadcast %add3A_175 : i32 to vector<16xi32>
      %add3A_178 = arith.addi %add3A_177, %iota3A_176 : vector<16xi32>
      %get3A_179 = arith.index_cast %add3A_175 : i32 to index
      %get3A_180 = tpu.vector_load %arg6[%get3A_179] {strides = array<i32>} : memref<20096xi32, #tpu.memory_space<vmem>>, vector<16xi32>,
      %mul3A_181 = arith.constant 16 : i32
      %mul3A_182 = vector.broadcast %mul3A_181 : i32 to vector<16xi32>
      %mul3A_183 = arith.muli %get3A_180, %mul3A_182 : vector<16xi32>
      %get3A_184 = arith.index_cast %add3A_175 : i32 to index
      %get3A_185 = tpu.vector_load %arg7[%get3A_184] {strides = array<i32>} : memref<20096xi32, #tpu.memory_space<vmem>>, vector<16xi32>,
      %add3A_186 = arith.addi %mul3A_183, %get3A_185 : vector<16xi32>
      %lt3A_187 = arith.constant 20000 : i32
      %lt3A_188 = vector.broadcast %lt3A_187 : i32 to vector<16xi32>
      %lt3A_189 = arith.cmpi slt, %add3A_178, %lt3A_188 : vector<16xi32>
      %jit3A_190 = arith.constant 160000 : i32
      %broadcast_in_dim3A_191 = vector.broadcast %jit3A_190 : i32 to vector<16xi32>
      %select_n3A_192 = arith.select %lt3A_189, %add3A_186, %broadcast_in_dim3A_191 : vector<16xi1>, vector<16xi32>
      %swap3A_193 = arith.index_cast %scan3A_79 : i32 to index
      %swap3A_194 = arith.constant 64 : index
      %swap3A_195 = tpu.vector_load %arg8[%swap3A_193, %swap3A_194] {strides = array<i32>} : memref<160x128xi32, #tpu.memory_space<vmem>>, vector<16xi32>,
      tpu.vector_store %arg8[%swap3A_193, %swap3A_194], %select_n3A_192 {strides = array<i32>} : memref<160x128xi32, #tpu.memory_space<vmem>>, vector<16xi32>,
      %mul3A_196 = arith.constant 128 : i32
      %mul3A_197 = arith.muli %scan3A_79, %mul3A_196 : i32
      %add3A_198 = arith.constant 80 : i32
      %add3A_199 = arith.addi %mul3A_197, %add3A_198 : i32
      %iota3A_200 = tpu.iota {dimensions = array<i32: 0>} : vector<16xi32>
      %add3A_201 = vector.broadcast %add3A_199 : i32 to vector<16xi32>
      %add3A_202 = arith.addi %add3A_201, %iota3A_200 : vector<16xi32>
      %get3A_203 = arith.index_cast %add3A_199 : i32 to index
      %get3A_204 = tpu.vector_load %arg6[%get3A_203] {strides = array<i32>} : memref<20096xi32, #tpu.memory_space<vmem>>, vector<16xi32>,
      %mul3A_205 = arith.constant 16 : i32
      %mul3A_206 = vector.broadcast %mul3A_205 : i32 to vector<16xi32>
      %mul3A_207 = arith.muli %get3A_204, %mul3A_206 : vector<16xi32>
      %get3A_208 = arith.index_cast %add3A_199 : i32 to index
      %get3A_209 = tpu.vector_load %arg7[%get3A_208] {strides = array<i32>} : memref<20096xi32, #tpu.memory_space<vmem>>, vector<16xi32>,
      %add3A_210 = arith.addi %mul3A_207, %get3A_209 : vector<16xi32>
      %lt3A_211 = arith.constant 20000 : i32
      %lt3A_212 = vector.broadcast %lt3A_211 : i32 to vector<16xi32>
      %lt3A_213 = arith.cmpi slt, %add3A_202, %lt3A_212 : vector<16xi32>
      %jit3A_214 = arith.constant 160000 : i32
      %broadcast_in_dim3A_215 = vector.broadcast %jit3A_214 : i32 to vector<16xi32>
      %select_n3A_216 = arith.select %lt3A_213, %add3A_210, %broadcast_in_dim3A_215 : vector<16xi1>, vector<16xi32>
      %swap3A_217 = arith.index_cast %scan3A_79 : i32 to index
      %swap3A_218 = arith.constant 80 : index
      %swap3A_219 = tpu.vector_load %arg8[%swap3A_217, %swap3A_218] {strides = array<i32>} : memref<160x128xi32, #tpu.memory_space<vmem>>, vector<16xi32>,
      tpu.vector_store %arg8[%swap3A_217, %swap3A_218], %select_n3A_216 {strides = array<i32>} : memref<160x128xi32, #tpu.memory_space<vmem>>, vector<16xi32>,
      %mul3A_220 = arith.constant 128 : i32
      %mul3A_221 = arith.muli %scan3A_79, %mul3A_220 : i32
      %add3A_222 = arith.constant 96 : i32
      %add3A_223 = arith.addi %mul3A_221, %add3A_222 : i32
      %iota3A_224 = tpu.iota {dimensions = array<i32: 0>} : vector<16xi32>
      %add3A_225 = vector.broadcast %add3A_223 : i32 to vector<16xi32>
      %add3A_226 = arith.addi %add3A_225, %iota3A_224 : vector<16xi32>
      %get3A_227 = arith.index_cast %add3A_223 : i32 to index
      %get3A_228 = tpu.vector_load %arg6[%get3A_227] {strides = array<i32>} : memref<20096xi32, #tpu.memory_space<vmem>>, vector<16xi32>,
      %mul3A_229 = arith.constant 16 : i32
      %mul3A_230 = vector.broadcast %mul3A_229 : i32 to vector<16xi32>
      %mul3A_231 = arith.muli %get3A_228, %mul3A_230 : vector<16xi32>
      %get3A_232 = arith.index_cast %add3A_223 : i32 to index
      %get3A_233 = tpu.vector_load %arg7[%get3A_232] {strides = array<i32>} : memref<20096xi32, #tpu.memory_space<vmem>>, vector<16xi32>,
      %add3A_234 = arith.addi %mul3A_231, %get3A_233 : vector<16xi32>
      %lt3A_235 = arith.constant 20000 : i32
      %lt3A_236 = vector.broadcast %lt3A_235 : i32 to vector<16xi32>
      %lt3A_237 = arith.cmpi slt, %add3A_226, %lt3A_236 : vector<16xi32>
      %jit3A_238 = arith.constant 160000 : i32
      %broadcast_in_dim3A_239 = vector.broadcast %jit3A_238 : i32 to vector<16xi32>
      %select_n3A_240 = arith.select %lt3A_237, %add3A_234, %broadcast_in_dim3A_239 : vector<16xi1>, vector<16xi32>
      %swap3A_241 = arith.index_cast %scan3A_79 : i32 to index
      %swap3A_242 = arith.constant 96 : index
      %swap3A_243 = tpu.vector_load %arg8[%swap3A_241, %swap3A_242] {strides = array<i32>} : memref<160x128xi32, #tpu.memory_space<vmem>>, vector<16xi32>,
      tpu.vector_store %arg8[%swap3A_241, %swap3A_242], %select_n3A_240 {strides = array<i32>} : memref<160x128xi32, #tpu.memory_space<vmem>>, vector<16xi32>,
      %mul3A_244 = arith.constant 128 : i32
      %mul3A_245 = arith.muli %scan3A_79, %mul3A_244 : i32
      %add3A_246 = arith.constant 112 : i32
      %add3A_247 = arith.addi %mul3A_245, %add3A_246 : i32
      %iota3A_248 = tpu.iota {dimensions = array<i32: 0>} : vector<16xi32>
      %add3A_249 = vector.broadcast %add3A_247 : i32 to vector<16xi32>
      %add3A_250 = arith.addi %add3A_249, %iota3A_248 : vector<16xi32>
      %get3A_251 = arith.index_cast %add3A_247 : i32 to index
      %get3A_252 = tpu.vector_load %arg6[%get3A_251] {strides = array<i32>} : memref<20096xi32, #tpu.memory_space<vmem>>, vector<16xi32>,
      %mul3A_253 = arith.constant 16 : i32
      %mul3A_254 = vector.broadcast %mul3A_253 : i32 to vector<16xi32>
      %mul3A_255 = arith.muli %get3A_252, %mul3A_254 : vector<16xi32>
      %get3A_256 = arith.index_cast %add3A_247 : i32 to index
      %get3A_257 = tpu.vector_load %arg7[%get3A_256] {strides = array<i32>} : memref<20096xi32, #tpu.memory_space<vmem>>, vector<16xi32>,
      %add3A_258 = arith.addi %mul3A_255, %get3A_257 : vector<16xi32>
      %lt3A_259 = arith.constant 20000 : i32
      %lt3A_260 = vector.broadcast %lt3A_259 : i32 to vector<16xi32>
      %lt3A_261 = arith.cmpi slt, %add3A_250, %lt3A_260 : vector<16xi32>
      %jit3A_262 = arith.constant 160000 : i32
      %broadcast_in_dim3A_263 = vector.broadcast %jit3A_262 : i32 to vector<16xi32>
      %select_n3A_264 = arith.select %lt3A_261, %add3A_258, %broadcast_in_dim3A_263 : vector<16xi1>, vector<16xi32>
      %swap3A_265 = arith.index_cast %scan3A_79 : i32 to index
      %swap3A_266 = arith.constant 112 : index
      %swap3A_267 = tpu.vector_load %arg8[%swap3A_265, %swap3A_266] {strides = array<i32>} : memref<160x128xi32, #tpu.memory_space<vmem>>, vector<16xi32>,
      tpu.vector_store %arg8[%swap3A_265, %swap3A_266], %select_n3A_264 {strides = array<i32>} : memref<160x128xi32, #tpu.memory_space<vmem>>, vector<16xi32>,
      %scan3A_268 = arith.constant 0 : i32
      scf.yield %scan3A_268 : i32
    }
    %scan3A_47 = arith.constant 160 : i32
    %scan3A_48 = arith.constant 0 : i32
    %scan3A_49 = arith.constant 0 : i32
    %scan3A_50 = arith.constant 20 : i32
    %scan3A_51 = arith.addi %scan3A_49, %scan3A_50 : i32
    %scan3A_52 = arith.constant 1 : i32
    %scan3A_53 = scf.for %scan3A_79 = %scan3A_49 to %scan3A_51 step %scan3A_52 iter_args(%scan3A_80 = %scan3A_48) -> (i32)  : i32 {
      %mul3A_81 = arith.constant 8 : i32
      %mul3A_82 = arith.muli %scan3A_79, %mul3A_81 : i32
      %add3A_83 = arith.constant 0 : i32
      %add3A_84 = arith.addi %mul3A_82, %add3A_83 : i32
      %dma_start3A = arith.constant 0 : i32
      %dma_start3A_85 = tpu.memref_slice %arg8[%add3A_84, %dma_start3A] : memref<160x128xi32, #tpu.memory_space<vmem>> -> memref<1x128xi32, #tpu.memory_space<vmem>>
      %dma_start3A_86 = tpu.memref_squeeze %dma_start3A_85 : memref<1x128xi32, #tpu.memory_space<vmem>> -> memref<128xi32, #tpu.memory_space<vmem>>
      %dma_start3A_87 = arith.constant 0 : i32
      %dma_start3A_88 = tpu.memref_slice %arg5[%dma_start3A_87] : memref<160256xf32, #tpu.memory_space<vmem_shared>> -> memref<160256xf32, #tpu.memory_space<vmem_shared>>
      tpu.enqueue_indirect_dma source(%arg9 : memref<128xf32, #tpu.memory_space<vmem>>) target(%dma_start3A_88 : memref<160256xf32, #tpu.memory_space<vmem_shared>>) offsets(%dma_start3A_86 : memref<128xi32, #tpu.memory_space<vmem>>) semaphore(%arg12 : memref<!tpu.dma_semaphore, #tpu.memory_space<semaphore_mem>>) {add = true}
      %mul3A_89 = arith.constant 8 : i32
      %mul3A_90 = arith.muli %scan3A_79, %mul3A_89 : i32
      %add3A_91 = arith.constant 1 : i32
      %add3A_92 = arith.addi %mul3A_90, %add3A_91 : i32
      %dma_start3A_93 = arith.constant 0 : i32
      %dma_start3A_94 = tpu.memref_slice %arg8[%add3A_92, %dma_start3A_93] : memref<160x128xi32, #tpu.memory_space<vmem>> -> memref<1x128xi32, #tpu.memory_space<vmem>>
      %dma_start3A_95 = tpu.memref_squeeze %dma_start3A_94 : memref<1x128xi32, #tpu.memory_space<vmem>> -> memref<128xi32, #tpu.memory_space<vmem>>
      %dma_start3A_96 = arith.constant 0 : i32
      %dma_start3A_97 = tpu.memref_slice %arg5[%dma_start3A_96] : memref<160256xf32, #tpu.memory_space<vmem_shared>> -> memref<160256xf32, #tpu.memory_space<vmem_shared>>
      tpu.enqueue_indirect_dma source(%arg9 : memref<128xf32, #tpu.memory_space<vmem>>) target(%dma_start3A_97 : memref<160256xf32, #tpu.memory_space<vmem_shared>>) offsets(%dma_start3A_95 : memref<128xi32, #tpu.memory_space<vmem>>) semaphore(%arg12 : memref<!tpu.dma_semaphore, #tpu.memory_space<semaphore_mem>>) {add = true}
      %mul3A_98 = arith.constant 8 : i32
      %mul3A_99 = arith.muli %scan3A_79, %mul3A_98 : i32
      %add3A_100 = arith.constant 2 : i32
      %add3A_101 = arith.addi %mul3A_99, %add3A_100 : i32
      %dma_start3A_102 = arith.constant 0 : i32
      %dma_start3A_103 = tpu.memref_slice %arg8[%add3A_101, %dma_start3A_102] : memref<160x128xi32, #tpu.memory_space<vmem>> -> memref<1x128xi32, #tpu.memory_space<vmem>>
      %dma_start3A_104 = tpu.memref_squeeze %dma_start3A_103 : memref<1x128xi32, #tpu.memory_space<vmem>> -> memref<128xi32, #tpu.memory_space<vmem>>
      %dma_start3A_105 = arith.constant 0 : i32
      %dma_start3A_106 = tpu.memref_slice %arg5[%dma_start3A_105] : memref<160256xf32, #tpu.memory_space<vmem_shared>> -> memref<160256xf32, #tpu.memory_space<vmem_shared>>
      tpu.enqueue_indirect_dma source(%arg9 : memref<128xf32, #tpu.memory_space<vmem>>) target(%dma_start3A_106 : memref<160256xf32, #tpu.memory_space<vmem_shared>>) offsets(%dma_start3A_104 : memref<128xi32, #tpu.memory_space<vmem>>) semaphore(%arg12 : memref<!tpu.dma_semaphore, #tpu.memory_space<semaphore_mem>>) {add = true}
      %mul3A_107 = arith.constant 8 : i32
      %mul3A_108 = arith.muli %scan3A_79, %mul3A_107 : i32
      %add3A_109 = arith.constant 3 : i32
      %add3A_110 = arith.addi %mul3A_108, %add3A_109 : i32
      %dma_start3A_111 = arith.constant 0 : i32
      %dma_start3A_112 = tpu.memref_slice %arg8[%add3A_110, %dma_start3A_111] : memref<160x128xi32, #tpu.memory_space<vmem>> -> memref<1x128xi32, #tpu.memory_space<vmem>>
      %dma_start3A_113 = tpu.memref_squeeze %dma_start3A_112 : memref<1x128xi32, #tpu.memory_space<vmem>> -> memref<128xi32, #tpu.memory_space<vmem>>
      %dma_start3A_114 = arith.constant 0 : i32
      %dma_start3A_115 = tpu.memref_slice %arg5[%dma_start3A_114] : memref<160256xf32, #tpu.memory_space<vmem_shared>> -> memref<160256xf32, #tpu.memory_space<vmem_shared>>
      tpu.enqueue_indirect_dma source(%arg9 : memref<128xf32, #tpu.memory_space<vmem>>) target(%dma_start3A_115 : memref<160256xf32, #tpu.memory_space<vmem_shared>>) offsets(%dma_start3A_113 : memref<128xi32, #tpu.memory_space<vmem>>) semaphore(%arg12 : memref<!tpu.dma_semaphore, #tpu.memory_space<semaphore_mem>>) {add = true}
      %mul3A_116 = arith.constant 8 : i32
      %mul3A_117 = arith.muli %scan3A_79, %mul3A_116 : i32
      %add3A_118 = arith.constant 4 : i32
      %add3A_119 = arith.addi %mul3A_117, %add3A_118 : i32
      %dma_start3A_120 = arith.constant 0 : i32
      %dma_start3A_121 = tpu.memref_slice %arg8[%add3A_119, %dma_start3A_120] : memref<160x128xi32, #tpu.memory_space<vmem>> -> memref<1x128xi32, #tpu.memory_space<vmem>>
      %dma_start3A_122 = tpu.memref_squeeze %dma_start3A_121 : memref<1x128xi32, #tpu.memory_space<vmem>> -> memref<128xi32, #tpu.memory_space<vmem>>
      %dma_start3A_123 = arith.constant 0 : i32
      %dma_start3A_124 = tpu.memref_slice %arg5[%dma_start3A_123] : memref<160256xf32, #tpu.memory_space<vmem_shared>> -> memref<160256xf32, #tpu.memory_space<vmem_shared>>
      tpu.enqueue_indirect_dma source(%arg9 : memref<128xf32, #tpu.memory_space<vmem>>) target(%dma_start3A_124 : memref<160256xf32, #tpu.memory_space<vmem_shared>>) offsets(%dma_start3A_122 : memref<128xi32, #tpu.memory_space<vmem>>) semaphore(%arg12 : memref<!tpu.dma_semaphore, #tpu.memory_space<semaphore_mem>>) {add = true}
      %mul3A_125 = arith.constant 8 : i32
      %mul3A_126 = arith.muli %scan3A_79, %mul3A_125 : i32
      %add3A_127 = arith.constant 5 : i32
      %add3A_128 = arith.addi %mul3A_126, %add3A_127 : i32
      %dma_start3A_129 = arith.constant 0 : i32
      %dma_start3A_130 = tpu.memref_slice %arg8[%add3A_128, %dma_start3A_129] : memref<160x128xi32, #tpu.memory_space<vmem>> -> memref<1x128xi32, #tpu.memory_space<vmem>>
      %dma_start3A_131 = tpu.memref_squeeze %dma_start3A_130 : memref<1x128xi32, #tpu.memory_space<vmem>> -> memref<128xi32, #tpu.memory_space<vmem>>
      %dma_start3A_132 = arith.constant 0 : i32
      %dma_start3A_133 = tpu.memref_slice %arg5[%dma_start3A_132] : memref<160256xf32, #tpu.memory_space<vmem_shared>> -> memref<160256xf32, #tpu.memory_space<vmem_shared>>
      tpu.enqueue_indirect_dma source(%arg9 : memref<128xf32, #tpu.memory_space<vmem>>) target(%dma_start3A_133 : memref<160256xf32, #tpu.memory_space<vmem_shared>>) offsets(%dma_start3A_131 : memref<128xi32, #tpu.memory_space<vmem>>) semaphore(%arg12 : memref<!tpu.dma_semaphore, #tpu.memory_space<semaphore_mem>>) {add = true}
      %mul3A_134 = arith.constant 8 : i32
      %mul3A_135 = arith.muli %scan3A_79, %mul3A_134 : i32
      %add3A_136 = arith.constant 6 : i32
      %add3A_137 = arith.addi %mul3A_135, %add3A_136 : i32
      %dma_start3A_138 = arith.constant 0 : i32
      %dma_start3A_139 = tpu.memref_slice %arg8[%add3A_137, %dma_start3A_138] : memref<160x128xi32, #tpu.memory_space<vmem>> -> memref<1x128xi32, #tpu.memory_space<vmem>>
      %dma_start3A_140 = tpu.memref_squeeze %dma_start3A_139 : memref<1x128xi32, #tpu.memory_space<vmem>> -> memref<128xi32, #tpu.memory_space<vmem>>
      %dma_start3A_141 = arith.constant 0 : i32
      %dma_start3A_142 = tpu.memref_slice %arg5[%dma_start3A_141] : memref<160256xf32, #tpu.memory_space<vmem_shared>> -> memref<160256xf32, #tpu.memory_space<vmem_shared>>
      tpu.enqueue_indirect_dma source(%arg9 : memref<128xf32, #tpu.memory_space<vmem>>) target(%dma_start3A_142 : memref<160256xf32, #tpu.memory_space<vmem_shared>>) offsets(%dma_start3A_140 : memref<128xi32, #tpu.memory_space<vmem>>) semaphore(%arg12 : memref<!tpu.dma_semaphore, #tpu.memory_space<semaphore_mem>>) {add = true}
      %mul3A_143 = arith.constant 8 : i32
      %mul3A_144 = arith.muli %scan3A_79, %mul3A_143 : i32
      %add3A_145 = arith.constant 7 : i32
      %add3A_146 = arith.addi %mul3A_144, %add3A_145 : i32
      %dma_start3A_147 = arith.constant 0 : i32
      %dma_start3A_148 = tpu.memref_slice %arg8[%add3A_146, %dma_start3A_147] : memref<160x128xi32, #tpu.memory_space<vmem>> -> memref<1x128xi32, #tpu.memory_space<vmem>>
      %dma_start3A_149 = tpu.memref_squeeze %dma_start3A_148 : memref<1x128xi32, #tpu.memory_space<vmem>> -> memref<128xi32, #tpu.memory_space<vmem>>
      %dma_start3A_150 = arith.constant 0 : i32
      %dma_start3A_151 = tpu.memref_slice %arg5[%dma_start3A_150] : memref<160256xf32, #tpu.memory_space<vmem_shared>> -> memref<160256xf32, #tpu.memory_space<vmem_shared>>
      tpu.enqueue_indirect_dma source(%arg9 : memref<128xf32, #tpu.memory_space<vmem>>) target(%dma_start3A_151 : memref<160256xf32, #tpu.memory_space<vmem_shared>>) offsets(%dma_start3A_149 : memref<128xi32, #tpu.memory_space<vmem>>) semaphore(%arg12 : memref<!tpu.dma_semaphore, #tpu.memory_space<semaphore_mem>>) {add = true}
      %mul3A_152 = arith.constant 8 : i32
      %mul3A_153 = arith.muli %scan3A_79, %mul3A_152 : i32
      %add3A_154 = arith.constant 0 : i32
      %add3A_155 = arith.addi %mul3A_153, %add3A_154 : i32
      %dma_wait3A = arith.constant 0 : i32
      %dma_wait3A_156 = tpu.memref_slice %arg8[%add3A_155, %dma_wait3A] : memref<160x128xi32, #tpu.memory_space<vmem>> -> memref<1x128xi32, #tpu.memory_space<vmem>>
      %dma_wait3A_157 = tpu.memref_squeeze %dma_wait3A_156 : memref<1x128xi32, #tpu.memory_space<vmem>> -> memref<128xi32, #tpu.memory_space<vmem>>
      %dma_wait3A_158 = arith.constant 0 : i32
      %dma_wait3A_159 = tpu.memref_slice %arg5[%dma_wait3A_158] : memref<160256xf32, #tpu.memory_space<vmem_shared>> -> memref<160256xf32, #tpu.memory_space<vmem_shared>>
      tpu.wait_indirect_dma semaphore(%arg12 : memref<!tpu.dma_semaphore, #tpu.memory_space<semaphore_mem>>) src(%arg9 : memref<128xf32, #tpu.memory_space<vmem>>) dst(%dma_wait3A_159 : memref<160256xf32, #tpu.memory_space<vmem_shared>>)
      %mul3A_160 = arith.constant 8 : i32
      %mul3A_161 = arith.muli %scan3A_79, %mul3A_160 : i32
      %add3A_162 = arith.constant 1 : i32
      %add3A_163 = arith.addi %mul3A_161, %add3A_162 : i32
      %dma_wait3A_164 = arith.constant 0 : i32
      %dma_wait3A_165 = tpu.memref_slice %arg8[%add3A_163, %dma_wait3A_164] : memref<160x128xi32, #tpu.memory_space<vmem>> -> memref<1x128xi32, #tpu.memory_space<vmem>>
      %dma_wait3A_166 = tpu.memref_squeeze %dma_wait3A_165 : memref<1x128xi32, #tpu.memory_space<vmem>> -> memref<128xi32, #tpu.memory_space<vmem>>
      %dma_wait3A_167 = arith.constant 0 : i32
      %dma_wait3A_168 = tpu.memref_slice %arg5[%dma_wait3A_167] : memref<160256xf32, #tpu.memory_space<vmem_shared>> -> memref<160256xf32, #tpu.memory_space<vmem_shared>>
      tpu.wait_indirect_dma semaphore(%arg12 : memref<!tpu.dma_semaphore, #tpu.memory_space<semaphore_mem>>) src(%arg9 : memref<128xf32, #tpu.memory_space<vmem>>) dst(%dma_wait3A_168 : memref<160256xf32, #tpu.memory_space<vmem_shared>>)
      %mul3A_169 = arith.constant 8 : i32
      %mul3A_170 = arith.muli %scan3A_79, %mul3A_169 : i32
      %add3A_171 = arith.constant 2 : i32
      %add3A_172 = arith.addi %mul3A_170, %add3A_171 : i32
      %dma_wait3A_173 = arith.constant 0 : i32
      %dma_wait3A_174 = tpu.memref_slice %arg8[%add3A_172, %dma_wait3A_173] : memref<160x128xi32, #tpu.memory_space<vmem>> -> memref<1x128xi32, #tpu.memory_space<vmem>>
      %dma_wait3A_175 = tpu.memref_squeeze %dma_wait3A_174 : memref<1x128xi32, #tpu.memory_space<vmem>> -> memref<128xi32, #tpu.memory_space<vmem>>
      %dma_wait3A_176 = arith.constant 0 : i32
      %dma_wait3A_177 = tpu.memref_slice %arg5[%dma_wait3A_176] : memref<160256xf32, #tpu.memory_space<vmem_shared>> -> memref<160256xf32, #tpu.memory_space<vmem_shared>>
      tpu.wait_indirect_dma semaphore(%arg12 : memref<!tpu.dma_semaphore, #tpu.memory_space<semaphore_mem>>) src(%arg9 : memref<128xf32, #tpu.memory_space<vmem>>) dst(%dma_wait3A_177 : memref<160256xf32, #tpu.memory_space<vmem_shared>>)
      %mul3A_178 = arith.constant 8 : i32
      %mul3A_179 = arith.muli %scan3A_79, %mul3A_178 : i32
      %add3A_180 = arith.constant 3 : i32
      %add3A_181 = arith.addi %mul3A_179, %add3A_180 : i32
      %dma_wait3A_182 = arith.constant 0 : i32
      %dma_wait3A_183 = tpu.memref_slice %arg8[%add3A_181, %dma_wait3A_182] : memref<160x128xi32, #tpu.memory_space<vmem>> -> memref<1x128xi32, #tpu.memory_space<vmem>>
      %dma_wait3A_184 = tpu.memref_squeeze %dma_wait3A_183 : memref<1x128xi32, #tpu.memory_space<vmem>> -> memref<128xi32, #tpu.memory_space<vmem>>
      %dma_wait3A_185 = arith.constant 0 : i32
      %dma_wait3A_186 = tpu.memref_slice %arg5[%dma_wait3A_185] : memref<160256xf32, #tpu.memory_space<vmem_shared>> -> memref<160256xf32, #tpu.memory_space<vmem_shared>>
      tpu.wait_indirect_dma semaphore(%arg12 : memref<!tpu.dma_semaphore, #tpu.memory_space<semaphore_mem>>) src(%arg9 : memref<128xf32, #tpu.memory_space<vmem>>) dst(%dma_wait3A_186 : memref<160256xf32, #tpu.memory_space<vmem_shared>>)
      %mul3A_187 = arith.constant 8 : i32
      %mul3A_188 = arith.muli %scan3A_79, %mul3A_187 : i32
      %add3A_189 = arith.constant 4 : i32
      %add3A_190 = arith.addi %mul3A_188, %add3A_189 : i32
      %dma_wait3A_191 = arith.constant 0 : i32
      %dma_wait3A_192 = tpu.memref_slice %arg8[%add3A_190, %dma_wait3A_191] : memref<160x128xi32, #tpu.memory_space<vmem>> -> memref<1x128xi32, #tpu.memory_space<vmem>>
      %dma_wait3A_193 = tpu.memref_squeeze %dma_wait3A_192 : memref<1x128xi32, #tpu.memory_space<vmem>> -> memref<128xi32, #tpu.memory_space<vmem>>
      %dma_wait3A_194 = arith.constant 0 : i32
      %dma_wait3A_195 = tpu.memref_slice %arg5[%dma_wait3A_194] : memref<160256xf32, #tpu.memory_space<vmem_shared>> -> memref<160256xf32, #tpu.memory_space<vmem_shared>>
      tpu.wait_indirect_dma semaphore(%arg12 : memref<!tpu.dma_semaphore, #tpu.memory_space<semaphore_mem>>) src(%arg9 : memref<128xf32, #tpu.memory_space<vmem>>) dst(%dma_wait3A_195 : memref<160256xf32, #tpu.memory_space<vmem_shared>>)
      %mul3A_196 = arith.constant 8 : i32
      %mul3A_197 = arith.muli %scan3A_79, %mul3A_196 : i32
      %add3A_198 = arith.constant 5 : i32
      %add3A_199 = arith.addi %mul3A_197, %add3A_198 : i32
      %dma_wait3A_200 = arith.constant 0 : i32
      %dma_wait3A_201 = tpu.memref_slice %arg8[%add3A_199, %dma_wait3A_200] : memref<160x128xi32, #tpu.memory_space<vmem>> -> memref<1x128xi32, #tpu.memory_space<vmem>>
      %dma_wait3A_202 = tpu.memref_squeeze %dma_wait3A_201 : memref<1x128xi32, #tpu.memory_space<vmem>> -> memref<128xi32, #tpu.memory_space<vmem>>
      %dma_wait3A_203 = arith.constant 0 : i32
      %dma_wait3A_204 = tpu.memref_slice %arg5[%dma_wait3A_203] : memref<160256xf32, #tpu.memory_space<vmem_shared>> -> memref<160256xf32, #tpu.memory_space<vmem_shared>>
      tpu.wait_indirect_dma semaphore(%arg12 : memref<!tpu.dma_semaphore, #tpu.memory_space<semaphore_mem>>) src(%arg9 : memref<128xf32, #tpu.memory_space<vmem>>) dst(%dma_wait3A_204 : memref<160256xf32, #tpu.memory_space<vmem_shared>>)
      %mul3A_205 = arith.constant 8 : i32
      %mul3A_206 = arith.muli %scan3A_79, %mul3A_205 : i32
      %add3A_207 = arith.constant 6 : i32
      %add3A_208 = arith.addi %mul3A_206, %add3A_207 : i32
      %dma_wait3A_209 = arith.constant 0 : i32
      %dma_wait3A_210 = tpu.memref_slice %arg8[%add3A_208, %dma_wait3A_209] : memref<160x128xi32, #tpu.memory_space<vmem>> -> memref<1x128xi32, #tpu.memory_space<vmem>>
      %dma_wait3A_211 = tpu.memref_squeeze %dma_wait3A_210 : memref<1x128xi32, #tpu.memory_space<vmem>> -> memref<128xi32, #tpu.memory_space<vmem>>
      %dma_wait3A_212 = arith.constant 0 : i32
      %dma_wait3A_213 = tpu.memref_slice %arg5[%dma_wait3A_212] : memref<160256xf32, #tpu.memory_space<vmem_shared>> -> memref<160256xf32, #tpu.memory_space<vmem_shared>>
      tpu.wait_indirect_dma semaphore(%arg12 : memref<!tpu.dma_semaphore, #tpu.memory_space<semaphore_mem>>) src(%arg9 : memref<128xf32, #tpu.memory_space<vmem>>) dst(%dma_wait3A_213 : memref<160256xf32, #tpu.memory_space<vmem_shared>>)
      %mul3A_214 = arith.constant 8 : i32
      %mul3A_215 = arith.muli %scan3A_79, %mul3A_214 : i32
      %add3A_216 = arith.constant 7 : i32
      %add3A_217 = arith.addi %mul3A_215, %add3A_216 : i32
      %dma_wait3A_218 = arith.constant 0 : i32
      %dma_wait3A_219 = tpu.memref_slice %arg8[%add3A_217, %dma_wait3A_218] : memref<160x128xi32, #tpu.memory_space<vmem>> -> memref<1x128xi32, #tpu.memory_space<vmem>>
      %dma_wait3A_220 = tpu.memref_squeeze %dma_wait3A_219 : memref<1x128xi32, #tpu.memory_space<vmem>> -> memref<128xi32, #tpu.memory_space<vmem>>
      %dma_wait3A_221 = arith.constant 0 : i32
      %dma_wait3A_222 = tpu.memref_slice %arg5[%dma_wait3A_221] : memref<160256xf32, #tpu.memory_space<vmem_shared>> -> memref<160256xf32, #tpu.memory_space<vmem_shared>>
      tpu.wait_indirect_dma semaphore(%arg12 : memref<!tpu.dma_semaphore, #tpu.memory_space<semaphore_mem>>) src(%arg9 : memref<128xf32, #tpu.memory_space<vmem>>) dst(%dma_wait3A_222 : memref<160256xf32, #tpu.memory_space<vmem_shared>>)
      %scan3A_223 = arith.constant 0 : i32
      scf.yield %scan3A_223 : i32
    }
    %scan3A_54 = arith.constant 20 : i32
    %barrier3A_55 = arith.constant 0 : index
    tpu.barrier barrier_id(%barrier3A_55)
    %mul3A_56 = arith.constant 10000 : i32
    %mul3A_57 = arith.muli %add3A, %mul3A_56 : i32
    "tpu.region"() ({
      %run_scoped3A = tpu.sem_alloc : memref<!tpu.dma_semaphore, #tpu.memory_space<semaphore_mem>>
      %dma_start3A = arith.constant 0 : i32
      %dma_start3A_79 = tpu.memref_slice %arg6[%dma_start3A] : memref<20096xi32, #tpu.memory_space<vmem>> -> memref<10000xi32, #tpu.memory_space<vmem>>
      %dma_start3A_80 = tpu.memref_slice %arg2[%mul3A_57] : memref<320000xi32, #tpu.memory_space<hbm>> -> memref<10000xi32, #tpu.memory_space<hbm>>
      %dma_start3A_81 = arith.constant 0 : i32
      %dma_start3A_82 = tpu.memref_slice %arg6[%dma_start3A_81] : memref<20096xi32, #tpu.memory_space<vmem>> -> memref<10000xi32, #tpu.memory_space<vmem>>
      %dma_start3A_83 = tpu.memref_slice %arg2[%mul3A_57] : memref<320000xi32, #tpu.memory_space<hbm>> -> memref<10000xi32, #tpu.memory_space<hbm>>
      tpu.enqueue_dma source(%dma_start3A_83 : memref<10000xi32, #tpu.memory_space<hbm>>) target(%dma_start3A_82 : memref<10000xi32, #tpu.memory_space<vmem>>) target_semaphore(%run_scoped3A : memref<!tpu.dma_semaphore, #tpu.memory_space<semaphore_mem>>)
      %dma_wait3A = arith.constant 0 : i32
      %dma_wait3A_84 = tpu.memref_slice %arg6[%dma_wait3A] : memref<20096xi32, #tpu.memory_space<vmem>> -> memref<10000xi32, #tpu.memory_space<vmem>>
      %dma_wait3A_85 = tpu.memref_slice %arg2[%mul3A_57] : memref<320000xi32, #tpu.memory_space<hbm>> -> memref<10000xi32, #tpu.memory_space<hbm>>
      %dma_wait3A_86 = arith.constant 0 : i32
      %dma_wait3A_87 = tpu.memref_slice %arg6[%dma_wait3A_86] : memref<20096xi32, #tpu.memory_space<vmem>> -> memref<10000xi32, #tpu.memory_space<vmem>>
      %dma_wait3A_88 = tpu.memref_slice %arg2[%mul3A_57] : memref<320000xi32, #tpu.memory_space<hbm>> -> memref<10000xi32, #tpu.memory_space<hbm>>
      tpu.wait_dma2 semaphore(%run_scoped3A : memref<!tpu.dma_semaphore, #tpu.memory_space<semaphore_mem>>) src(%dma_wait3A_88 : memref<10000xi32, #tpu.memory_space<hbm>>) dst(%dma_wait3A_87 : memref<10000xi32, #tpu.memory_space<vmem>>)
      tpu.yield
    }) : () -> ()
    "tpu.region"() ({
      %run_scoped3A = tpu.sem_alloc : memref<!tpu.dma_semaphore, #tpu.memory_space<semaphore_mem>>
      %dma_start3A = arith.constant 0 : i32
      %dma_start3A_79 = tpu.memref_slice %arg7[%dma_start3A] : memref<20096xi32, #tpu.memory_space<vmem>> -> memref<10000xi32, #tpu.memory_space<vmem>>
      %dma_start3A_80 = tpu.memref_slice %arg3[%mul3A_57] : memref<320000xi32, #tpu.memory_space<hbm>> -> memref<10000xi32, #tpu.memory_space<hbm>>
      %dma_start3A_81 = arith.constant 0 : i32
      %dma_start3A_82 = tpu.memref_slice %arg7[%dma_start3A_81] : memref<20096xi32, #tpu.memory_space<vmem>> -> memref<10000xi32, #tpu.memory_space<vmem>>
      %dma_start3A_83 = tpu.memref_slice %arg3[%mul3A_57] : memref<320000xi32, #tpu.memory_space<hbm>> -> memref<10000xi32, #tpu.memory_space<hbm>>
      tpu.enqueue_dma source(%dma_start3A_83 : memref<10000xi32, #tpu.memory_space<hbm>>) target(%dma_start3A_82 : memref<10000xi32, #tpu.memory_space<vmem>>) target_semaphore(%run_scoped3A : memref<!tpu.dma_semaphore, #tpu.memory_space<semaphore_mem>>)
      %dma_wait3A = arith.constant 0 : i32
      %dma_wait3A_84 = tpu.memref_slice %arg7[%dma_wait3A] : memref<20096xi32, #tpu.memory_space<vmem>> -> memref<10000xi32, #tpu.memory_space<vmem>>
      %dma_wait3A_85 = tpu.memref_slice %arg3[%mul3A_57] : memref<320000xi32, #tpu.memory_space<hbm>> -> memref<10000xi32, #tpu.memory_space<hbm>>
      %dma_wait3A_86 = arith.constant 0 : i32
      %dma_wait3A_87 = tpu.memref_slice %arg7[%dma_wait3A_86] : memref<20096xi32, #tpu.memory_space<vmem>> -> memref<10000xi32, #tpu.memory_space<vmem>>
      %dma_wait3A_88 = tpu.memref_slice %arg3[%mul3A_57] : memref<320000xi32, #tpu.memory_space<hbm>> -> memref<10000xi32, #tpu.memory_space<hbm>>
      tpu.wait_dma2 semaphore(%run_scoped3A : memref<!tpu.dma_semaphore, #tpu.memory_space<semaphore_mem>>) src(%dma_wait3A_88 : memref<10000xi32, #tpu.memory_space<hbm>>) dst(%dma_wait3A_87 : memref<10000xi32, #tpu.memory_space<vmem>>)
      tpu.yield
    }) : () -> ()
    %scan3A_58 = arith.constant 0 : i32
    %scan3A_59 = arith.constant 0 : i32
    %scan3A_60 = arith.constant 80 : i32
    %scan3A_61 = arith.addi %scan3A_59, %scan3A_60 : i32
    %scan3A_62 = arith.constant 1 : i32
    %scan3A_63 = scf.for %scan3A_79 = %scan3A_59 to %scan3A_61 step %scan3A_62 iter_args(%scan3A_80 = %scan3A_58) -> (i32)  : i32 {
      %mul3A_81 = arith.constant 128 : i32
      %mul3A_82 = arith.muli %scan3A_79, %mul3A_81 : i32
      %add3A_83 = arith.constant 0 : i32
      %add3A_84 = arith.addi %mul3A_82, %add3A_83 : i32
      %iota3A = tpu.iota {dimensions = array<i32: 0>} : vector<16xi32>
      %add3A_85 = vector.broadcast %add3A_84 : i32 to vector<16xi32>
      %add3A_86 = arith.addi %add3A_85, %iota3A : vector<16xi32>
      %get3A = arith.index_cast %add3A_84 : i32 to index
      %get3A_87 = tpu.vector_load %arg6[%get3A] {strides = array<i32>} : memref<20096xi32, #tpu.memory_space<vmem>>, vector<16xi32>,
      %mul3A_88 = arith.constant 16 : i32
      %mul3A_89 = vector.broadcast %mul3A_88 : i32 to vector<16xi32>
      %mul3A_90 = arith.muli %get3A_87, %mul3A_89 : vector<16xi32>
      %get3A_91 = arith.index_cast %add3A_84 : i32 to index
      %get3A_92 = tpu.vector_load %arg7[%get3A_91] {strides = array<i32>} : memref<20096xi32, #tpu.memory_space<vmem>>, vector<16xi32>,
      %add3A_93 = arith.addi %mul3A_90, %get3A_92 : vector<16xi32>
      %lt3A = arith.constant 10000 : i32
      %lt3A_94 = vector.broadcast %lt3A : i32 to vector<16xi32>
      %lt3A_95 = arith.cmpi slt, %add3A_86, %lt3A_94 : vector<16xi32>
      %jit3A = arith.constant 160000 : i32
      %broadcast_in_dim3A_96 = vector.broadcast %jit3A : i32 to vector<16xi32>
      %select_n3A = arith.select %lt3A_95, %add3A_93, %broadcast_in_dim3A_96 : vector<16xi1>, vector<16xi32>
      %swap3A_97 = arith.index_cast %scan3A_79 : i32 to index
      %swap3A_98 = arith.constant 0 : index
      %swap3A_99 = tpu.vector_load %arg8[%swap3A_97, %swap3A_98] {strides = array<i32>} : memref<160x128xi32, #tpu.memory_space<vmem>>, vector<16xi32>,
      tpu.vector_store %arg8[%swap3A_97, %swap3A_98], %select_n3A {strides = array<i32>} : memref<160x128xi32, #tpu.memory_space<vmem>>, vector<16xi32>,
      %mul3A_100 = arith.constant 128 : i32
      %mul3A_101 = arith.muli %scan3A_79, %mul3A_100 : i32
      %add3A_102 = arith.constant 16 : i32
      %add3A_103 = arith.addi %mul3A_101, %add3A_102 : i32
      %iota3A_104 = tpu.iota {dimensions = array<i32: 0>} : vector<16xi32>
      %add3A_105 = vector.broadcast %add3A_103 : i32 to vector<16xi32>
      %add3A_106 = arith.addi %add3A_105, %iota3A_104 : vector<16xi32>
      %get3A_107 = arith.index_cast %add3A_103 : i32 to index
      %get3A_108 = tpu.vector_load %arg6[%get3A_107] {strides = array<i32>} : memref<20096xi32, #tpu.memory_space<vmem>>, vector<16xi32>,
      %mul3A_109 = arith.constant 16 : i32
      %mul3A_110 = vector.broadcast %mul3A_109 : i32 to vector<16xi32>
      %mul3A_111 = arith.muli %get3A_108, %mul3A_110 : vector<16xi32>
      %get3A_112 = arith.index_cast %add3A_103 : i32 to index
      %get3A_113 = tpu.vector_load %arg7[%get3A_112] {strides = array<i32>} : memref<20096xi32, #tpu.memory_space<vmem>>, vector<16xi32>,
      %add3A_114 = arith.addi %mul3A_111, %get3A_113 : vector<16xi32>
      %lt3A_115 = arith.constant 10000 : i32
      %lt3A_116 = vector.broadcast %lt3A_115 : i32 to vector<16xi32>
      %lt3A_117 = arith.cmpi slt, %add3A_106, %lt3A_116 : vector<16xi32>
      %jit3A_118 = arith.constant 160000 : i32
      %broadcast_in_dim3A_119 = vector.broadcast %jit3A_118 : i32 to vector<16xi32>
      %select_n3A_120 = arith.select %lt3A_117, %add3A_114, %broadcast_in_dim3A_119 : vector<16xi1>, vector<16xi32>
      %swap3A_121 = arith.index_cast %scan3A_79 : i32 to index
      %swap3A_122 = arith.constant 16 : index
      %swap3A_123 = tpu.vector_load %arg8[%swap3A_121, %swap3A_122] {strides = array<i32>} : memref<160x128xi32, #tpu.memory_space<vmem>>, vector<16xi32>,
      tpu.vector_store %arg8[%swap3A_121, %swap3A_122], %select_n3A_120 {strides = array<i32>} : memref<160x128xi32, #tpu.memory_space<vmem>>, vector<16xi32>,
      %mul3A_124 = arith.constant 128 : i32
      %mul3A_125 = arith.muli %scan3A_79, %mul3A_124 : i32
      %add3A_126 = arith.constant 32 : i32
      %add3A_127 = arith.addi %mul3A_125, %add3A_126 : i32
      %iota3A_128 = tpu.iota {dimensions = array<i32: 0>} : vector<16xi32>
      %add3A_129 = vector.broadcast %add3A_127 : i32 to vector<16xi32>
      %add3A_130 = arith.addi %add3A_129, %iota3A_128 : vector<16xi32>
      %get3A_131 = arith.index_cast %add3A_127 : i32 to index
      %get3A_132 = tpu.vector_load %arg6[%get3A_131] {strides = array<i32>} : memref<20096xi32, #tpu.memory_space<vmem>>, vector<16xi32>,
      %mul3A_133 = arith.constant 16 : i32
      %mul3A_134 = vector.broadcast %mul3A_133 : i32 to vector<16xi32>
      %mul3A_135 = arith.muli %get3A_132, %mul3A_134 : vector<16xi32>
      %get3A_136 = arith.index_cast %add3A_127 : i32 to index
      %get3A_137 = tpu.vector_load %arg7[%get3A_136] {strides = array<i32>} : memref<20096xi32, #tpu.memory_space<vmem>>, vector<16xi32>,
      %add3A_138 = arith.addi %mul3A_135, %get3A_137 : vector<16xi32>
      %lt3A_139 = arith.constant 10000 : i32
      %lt3A_140 = vector.broadcast %lt3A_139 : i32 to vector<16xi32>
      %lt3A_141 = arith.cmpi slt, %add3A_130, %lt3A_140 : vector<16xi32>
      %jit3A_142 = arith.constant 160000 : i32
      %broadcast_in_dim3A_143 = vector.broadcast %jit3A_142 : i32 to vector<16xi32>
      %select_n3A_144 = arith.select %lt3A_141, %add3A_138, %broadcast_in_dim3A_143 : vector<16xi1>, vector<16xi32>
      %swap3A_145 = arith.index_cast %scan3A_79 : i32 to index
      %swap3A_146 = arith.constant 32 : index
      %swap3A_147 = tpu.vector_load %arg8[%swap3A_145, %swap3A_146] {strides = array<i32>} : memref<160x128xi32, #tpu.memory_space<vmem>>, vector<16xi32>,
      tpu.vector_store %arg8[%swap3A_145, %swap3A_146], %select_n3A_144 {strides = array<i32>} : memref<160x128xi32, #tpu.memory_space<vmem>>, vector<16xi32>,
      %mul3A_148 = arith.constant 128 : i32
      %mul3A_149 = arith.muli %scan3A_79, %mul3A_148 : i32
      %add3A_150 = arith.constant 48 : i32
      %add3A_151 = arith.addi %mul3A_149, %add3A_150 : i32
      %iota3A_152 = tpu.iota {dimensions = array<i32: 0>} : vector<16xi32>
      %add3A_153 = vector.broadcast %add3A_151 : i32 to vector<16xi32>
      %add3A_154 = arith.addi %add3A_153, %iota3A_152 : vector<16xi32>
      %get3A_155 = arith.index_cast %add3A_151 : i32 to index
      %get3A_156 = tpu.vector_load %arg6[%get3A_155] {strides = array<i32>} : memref<20096xi32, #tpu.memory_space<vmem>>, vector<16xi32>,
      %mul3A_157 = arith.constant 16 : i32
      %mul3A_158 = vector.broadcast %mul3A_157 : i32 to vector<16xi32>
      %mul3A_159 = arith.muli %get3A_156, %mul3A_158 : vector<16xi32>
      %get3A_160 = arith.index_cast %add3A_151 : i32 to index
      %get3A_161 = tpu.vector_load %arg7[%get3A_160] {strides = array<i32>} : memref<20096xi32, #tpu.memory_space<vmem>>, vector<16xi32>,
      %add3A_162 = arith.addi %mul3A_159, %get3A_161 : vector<16xi32>
      %lt3A_163 = arith.constant 10000 : i32
      %lt3A_164 = vector.broadcast %lt3A_163 : i32 to vector<16xi32>
      %lt3A_165 = arith.cmpi slt, %add3A_154, %lt3A_164 : vector<16xi32>
      %jit3A_166 = arith.constant 160000 : i32
      %broadcast_in_dim3A_167 = vector.broadcast %jit3A_166 : i32 to vector<16xi32>
      %select_n3A_168 = arith.select %lt3A_165, %add3A_162, %broadcast_in_dim3A_167 : vector<16xi1>, vector<16xi32>
      %swap3A_169 = arith.index_cast %scan3A_79 : i32 to index
      %swap3A_170 = arith.constant 48 : index
      %swap3A_171 = tpu.vector_load %arg8[%swap3A_169, %swap3A_170] {strides = array<i32>} : memref<160x128xi32, #tpu.memory_space<vmem>>, vector<16xi32>,
      tpu.vector_store %arg8[%swap3A_169, %swap3A_170], %select_n3A_168 {strides = array<i32>} : memref<160x128xi32, #tpu.memory_space<vmem>>, vector<16xi32>,
      %mul3A_172 = arith.constant 128 : i32
      %mul3A_173 = arith.muli %scan3A_79, %mul3A_172 : i32
      %add3A_174 = arith.constant 64 : i32
      %add3A_175 = arith.addi %mul3A_173, %add3A_174 : i32
      %iota3A_176 = tpu.iota {dimensions = array<i32: 0>} : vector<16xi32>
      %add3A_177 = vector.broadcast %add3A_175 : i32 to vector<16xi32>
      %add3A_178 = arith.addi %add3A_177, %iota3A_176 : vector<16xi32>
      %get3A_179 = arith.index_cast %add3A_175 : i32 to index
      %get3A_180 = tpu.vector_load %arg6[%get3A_179] {strides = array<i32>} : memref<20096xi32, #tpu.memory_space<vmem>>, vector<16xi32>,
      %mul3A_181 = arith.constant 16 : i32
      %mul3A_182 = vector.broadcast %mul3A_181 : i32 to vector<16xi32>
      %mul3A_183 = arith.muli %get3A_180, %mul3A_182 : vector<16xi32>
      %get3A_184 = arith.index_cast %add3A_175 : i32 to index
      %get3A_185 = tpu.vector_load %arg7[%get3A_184] {strides = array<i32>} : memref<20096xi32, #tpu.memory_space<vmem>>, vector<16xi32>,
      %add3A_186 = arith.addi %mul3A_183, %get3A_185 : vector<16xi32>
      %lt3A_187 = arith.constant 10000 : i32
      %lt3A_188 = vector.broadcast %lt3A_187 : i32 to vector<16xi32>
      %lt3A_189 = arith.cmpi slt, %add3A_178, %lt3A_188 : vector<16xi32>
      %jit3A_190 = arith.constant 160000 : i32
      %broadcast_in_dim3A_191 = vector.broadcast %jit3A_190 : i32 to vector<16xi32>
      %select_n3A_192 = arith.select %lt3A_189, %add3A_186, %broadcast_in_dim3A_191 : vector<16xi1>, vector<16xi32>
      %swap3A_193 = arith.index_cast %scan3A_79 : i32 to index
      %swap3A_194 = arith.constant 64 : index
      %swap3A_195 = tpu.vector_load %arg8[%swap3A_193, %swap3A_194] {strides = array<i32>} : memref<160x128xi32, #tpu.memory_space<vmem>>, vector<16xi32>,
      tpu.vector_store %arg8[%swap3A_193, %swap3A_194], %select_n3A_192 {strides = array<i32>} : memref<160x128xi32, #tpu.memory_space<vmem>>, vector<16xi32>,
      %mul3A_196 = arith.constant 128 : i32
      %mul3A_197 = arith.muli %scan3A_79, %mul3A_196 : i32
      %add3A_198 = arith.constant 80 : i32
      %add3A_199 = arith.addi %mul3A_197, %add3A_198 : i32
      %iota3A_200 = tpu.iota {dimensions = array<i32: 0>} : vector<16xi32>
      %add3A_201 = vector.broadcast %add3A_199 : i32 to vector<16xi32>
      %add3A_202 = arith.addi %add3A_201, %iota3A_200 : vector<16xi32>
      %get3A_203 = arith.index_cast %add3A_199 : i32 to index
      %get3A_204 = tpu.vector_load %arg6[%get3A_203] {strides = array<i32>} : memref<20096xi32, #tpu.memory_space<vmem>>, vector<16xi32>,
      %mul3A_205 = arith.constant 16 : i32
      %mul3A_206 = vector.broadcast %mul3A_205 : i32 to vector<16xi32>
      %mul3A_207 = arith.muli %get3A_204, %mul3A_206 : vector<16xi32>
      %get3A_208 = arith.index_cast %add3A_199 : i32 to index
      %get3A_209 = tpu.vector_load %arg7[%get3A_208] {strides = array<i32>} : memref<20096xi32, #tpu.memory_space<vmem>>, vector<16xi32>,
      %add3A_210 = arith.addi %mul3A_207, %get3A_209 : vector<16xi32>
      %lt3A_211 = arith.constant 10000 : i32
      %lt3A_212 = vector.broadcast %lt3A_211 : i32 to vector<16xi32>
      %lt3A_213 = arith.cmpi slt, %add3A_202, %lt3A_212 : vector<16xi32>
      %jit3A_214 = arith.constant 160000 : i32
      %broadcast_in_dim3A_215 = vector.broadcast %jit3A_214 : i32 to vector<16xi32>
      %select_n3A_216 = arith.select %lt3A_213, %add3A_210, %broadcast_in_dim3A_215 : vector<16xi1>, vector<16xi32>
      %swap3A_217 = arith.index_cast %scan3A_79 : i32 to index
      %swap3A_218 = arith.constant 80 : index
      %swap3A_219 = tpu.vector_load %arg8[%swap3A_217, %swap3A_218] {strides = array<i32>} : memref<160x128xi32, #tpu.memory_space<vmem>>, vector<16xi32>,
      tpu.vector_store %arg8[%swap3A_217, %swap3A_218], %select_n3A_216 {strides = array<i32>} : memref<160x128xi32, #tpu.memory_space<vmem>>, vector<16xi32>,
      %mul3A_220 = arith.constant 128 : i32
      %mul3A_221 = arith.muli %scan3A_79, %mul3A_220 : i32
      %add3A_222 = arith.constant 96 : i32
      %add3A_223 = arith.addi %mul3A_221, %add3A_222 : i32
      %iota3A_224 = tpu.iota {dimensions = array<i32: 0>} : vector<16xi32>
      %add3A_225 = vector.broadcast %add3A_223 : i32 to vector<16xi32>
      %add3A_226 = arith.addi %add3A_225, %iota3A_224 : vector<16xi32>
      %get3A_227 = arith.index_cast %add3A_223 : i32 to index
      %get3A_228 = tpu.vector_load %arg6[%get3A_227] {strides = array<i32>} : memref<20096xi32, #tpu.memory_space<vmem>>, vector<16xi32>,
      %mul3A_229 = arith.constant 16 : i32
      %mul3A_230 = vector.broadcast %mul3A_229 : i32 to vector<16xi32>
      %mul3A_231 = arith.muli %get3A_228, %mul3A_230 : vector<16xi32>
      %get3A_232 = arith.index_cast %add3A_223 : i32 to index
      %get3A_233 = tpu.vector_load %arg7[%get3A_232] {strides = array<i32>} : memref<20096xi32, #tpu.memory_space<vmem>>, vector<16xi32>,
      %add3A_234 = arith.addi %mul3A_231, %get3A_233 : vector<16xi32>
      %lt3A_235 = arith.constant 10000 : i32
      %lt3A_236 = vector.broadcast %lt3A_235 : i32 to vector<16xi32>
      %lt3A_237 = arith.cmpi slt, %add3A_226, %lt3A_236 : vector<16xi32>
      %jit3A_238 = arith.constant 160000 : i32
      %broadcast_in_dim3A_239 = vector.broadcast %jit3A_238 : i32 to vector<16xi32>
      %select_n3A_240 = arith.select %lt3A_237, %add3A_234, %broadcast_in_dim3A_239 : vector<16xi1>, vector<16xi32>
      %swap3A_241 = arith.index_cast %scan3A_79 : i32 to index
      %swap3A_242 = arith.constant 96 : index
      %swap3A_243 = tpu.vector_load %arg8[%swap3A_241, %swap3A_242] {strides = array<i32>} : memref<160x128xi32, #tpu.memory_space<vmem>>, vector<16xi32>,
      tpu.vector_store %arg8[%swap3A_241, %swap3A_242], %select_n3A_240 {strides = array<i32>} : memref<160x128xi32, #tpu.memory_space<vmem>>, vector<16xi32>,
      %mul3A_244 = arith.constant 128 : i32
      %mul3A_245 = arith.muli %scan3A_79, %mul3A_244 : i32
      %add3A_246 = arith.constant 112 : i32
      %add3A_247 = arith.addi %mul3A_245, %add3A_246 : i32
      %iota3A_248 = tpu.iota {dimensions = array<i32: 0>} : vector<16xi32>
      %add3A_249 = vector.broadcast %add3A_247 : i32 to vector<16xi32>
      %add3A_250 = arith.addi %add3A_249, %iota3A_248 : vector<16xi32>
      %get3A_251 = arith.index_cast %add3A_247 : i32 to index
      %get3A_252 = tpu.vector_load %arg6[%get3A_251] {strides = array<i32>} : memref<20096xi32, #tpu.memory_space<vmem>>, vector<16xi32>,
      %mul3A_253 = arith.constant 16 : i32
      %mul3A_254 = vector.broadcast %mul3A_253 : i32 to vector<16xi32>
      %mul3A_255 = arith.muli %get3A_252, %mul3A_254 : vector<16xi32>
      %get3A_256 = arith.index_cast %add3A_247 : i32 to index
      %get3A_257 = tpu.vector_load %arg7[%get3A_256] {strides = array<i32>} : memref<20096xi32, #tpu.memory_space<vmem>>, vector<16xi32>,
      %add3A_258 = arith.addi %mul3A_255, %get3A_257 : vector<16xi32>
      %lt3A_259 = arith.constant 10000 : i32
      %lt3A_260 = vector.broadcast %lt3A_259 : i32 to vector<16xi32>
      %lt3A_261 = arith.cmpi slt, %add3A_250, %lt3A_260 : vector<16xi32>
      %jit3A_262 = arith.constant 160000 : i32
      %broadcast_in_dim3A_263 = vector.broadcast %jit3A_262 : i32 to vector<16xi32>
      %select_n3A_264 = arith.select %lt3A_261, %add3A_258, %broadcast_in_dim3A_263 : vector<16xi1>, vector<16xi32>
      %swap3A_265 = arith.index_cast %scan3A_79 : i32 to index
      %swap3A_266 = arith.constant 112 : index
      %swap3A_267 = tpu.vector_load %arg8[%swap3A_265, %swap3A_266] {strides = array<i32>} : memref<160x128xi32, #tpu.memory_space<vmem>>, vector<16xi32>,
      tpu.vector_store %arg8[%swap3A_265, %swap3A_266], %select_n3A_264 {strides = array<i32>} : memref<160x128xi32, #tpu.memory_space<vmem>>, vector<16xi32>,
      %scan3A_268 = arith.constant 0 : i32
      scf.yield %scan3A_268 : i32
    }
    %scan3A_64 = arith.constant 80 : i32
    %scan3A_65 = arith.constant 0 : i32
    %scan3A_66 = arith.constant 0 : i32
    %scan3A_67 = arith.constant 10 : i32
    %scan3A_68 = arith.addi %scan3A_66, %scan3A_67 : i32
    %scan3A_69 = arith.constant 1 : i32
    %scan3A_70 = scf.for %scan3A_79 = %scan3A_66 to %scan3A_68 step %scan3A_69 iter_args(%scan3A_80 = %scan3A_65) -> (i32)  : i32 {
      %mul3A_81 = arith.constant 8 : i32
      %mul3A_82 = arith.muli %scan3A_79, %mul3A_81 : i32
      %add3A_83 = arith.constant 0 : i32
      %add3A_84 = arith.addi %mul3A_82, %add3A_83 : i32
      %mul3A_85 = arith.constant 128 : i32
      %mul3A_86 = arith.muli %add3A_84, %mul3A_85 : i32
      %dma_start3A = tpu.memref_slice %arg11[%mul3A_86] : memref<10240xf32, #tpu.memory_space<vmem>> -> memref<128xf32, #tpu.memory_space<vmem>>
      %dma_start3A_87 = arith.constant 0 : i32
      %dma_start3A_88 = tpu.memref_slice %arg8[%add3A_84, %dma_start3A_87] : memref<160x128xi32, #tpu.memory_space<vmem>> -> memref<1x128xi32, #tpu.memory_space<vmem>>
      %dma_start3A_89 = tpu.memref_squeeze %dma_start3A_88 : memref<1x128xi32, #tpu.memory_space<vmem>> -> memref<128xi32, #tpu.memory_space<vmem>>
      %dma_start3A_90 = arith.constant 0 : i32
      %dma_start3A_91 = tpu.memref_slice %arg5[%dma_start3A_90] : memref<160256xf32, #tpu.memory_space<vmem_shared>> -> memref<160256xf32, #tpu.memory_space<vmem_shared>>
      tpu.enqueue_indirect_dma source(%dma_start3A_91 : memref<160256xf32, #tpu.memory_space<vmem_shared>>) target(%dma_start3A : memref<128xf32, #tpu.memory_space<vmem>>) offsets(%dma_start3A_89 : memref<128xi32, #tpu.memory_space<vmem>>) semaphore(%arg12 : memref<!tpu.dma_semaphore, #tpu.memory_space<semaphore_mem>>)
      %mul3A_92 = arith.constant 8 : i32
      %mul3A_93 = arith.muli %scan3A_79, %mul3A_92 : i32
      %add3A_94 = arith.constant 1 : i32
      %add3A_95 = arith.addi %mul3A_93, %add3A_94 : i32
      %mul3A_96 = arith.constant 128 : i32
      %mul3A_97 = arith.muli %add3A_95, %mul3A_96 : i32
      %dma_start3A_98 = tpu.memref_slice %arg11[%mul3A_97] : memref<10240xf32, #tpu.memory_space<vmem>> -> memref<128xf32, #tpu.memory_space<vmem>>
      %dma_start3A_99 = arith.constant 0 : i32
      %dma_start3A_100 = tpu.memref_slice %arg8[%add3A_95, %dma_start3A_99] : memref<160x128xi32, #tpu.memory_space<vmem>> -> memref<1x128xi32, #tpu.memory_space<vmem>>
      %dma_start3A_101 = tpu.memref_squeeze %dma_start3A_100 : memref<1x128xi32, #tpu.memory_space<vmem>> -> memref<128xi32, #tpu.memory_space<vmem>>
      %dma_start3A_102 = arith.constant 0 : i32
      %dma_start3A_103 = tpu.memref_slice %arg5[%dma_start3A_102] : memref<160256xf32, #tpu.memory_space<vmem_shared>> -> memref<160256xf32, #tpu.memory_space<vmem_shared>>
      tpu.enqueue_indirect_dma source(%dma_start3A_103 : memref<160256xf32, #tpu.memory_space<vmem_shared>>) target(%dma_start3A_98 : memref<128xf32, #tpu.memory_space<vmem>>) offsets(%dma_start3A_101 : memref<128xi32, #tpu.memory_space<vmem>>) semaphore(%arg12 : memref<!tpu.dma_semaphore, #tpu.memory_space<semaphore_mem>>)
      %mul3A_104 = arith.constant 8 : i32
      %mul3A_105 = arith.muli %scan3A_79, %mul3A_104 : i32
      %add3A_106 = arith.constant 2 : i32
      %add3A_107 = arith.addi %mul3A_105, %add3A_106 : i32
      %mul3A_108 = arith.constant 128 : i32
      %mul3A_109 = arith.muli %add3A_107, %mul3A_108 : i32
      %dma_start3A_110 = tpu.memref_slice %arg11[%mul3A_109] : memref<10240xf32, #tpu.memory_space<vmem>> -> memref<128xf32, #tpu.memory_space<vmem>>
      %dma_start3A_111 = arith.constant 0 : i32
      %dma_start3A_112 = tpu.memref_slice %arg8[%add3A_107, %dma_start3A_111] : memref<160x128xi32, #tpu.memory_space<vmem>> -> memref<1x128xi32, #tpu.memory_space<vmem>>
      %dma_start3A_113 = tpu.memref_squeeze %dma_start3A_112 : memref<1x128xi32, #tpu.memory_space<vmem>> -> memref<128xi32, #tpu.memory_space<vmem>>
      %dma_start3A_114 = arith.constant 0 : i32
      %dma_start3A_115 = tpu.memref_slice %arg5[%dma_start3A_114] : memref<160256xf32, #tpu.memory_space<vmem_shared>> -> memref<160256xf32, #tpu.memory_space<vmem_shared>>
      tpu.enqueue_indirect_dma source(%dma_start3A_115 : memref<160256xf32, #tpu.memory_space<vmem_shared>>) target(%dma_start3A_110 : memref<128xf32, #tpu.memory_space<vmem>>) offsets(%dma_start3A_113 : memref<128xi32, #tpu.memory_space<vmem>>) semaphore(%arg12 : memref<!tpu.dma_semaphore, #tpu.memory_space<semaphore_mem>>)
      %mul3A_116 = arith.constant 8 : i32
      %mul3A_117 = arith.muli %scan3A_79, %mul3A_116 : i32
      %add3A_118 = arith.constant 3 : i32
      %add3A_119 = arith.addi %mul3A_117, %add3A_118 : i32
      %mul3A_120 = arith.constant 128 : i32
      %mul3A_121 = arith.muli %add3A_119, %mul3A_120 : i32
      %dma_start3A_122 = tpu.memref_slice %arg11[%mul3A_121] : memref<10240xf32, #tpu.memory_space<vmem>> -> memref<128xf32, #tpu.memory_space<vmem>>
      %dma_start3A_123 = arith.constant 0 : i32
      %dma_start3A_124 = tpu.memref_slice %arg8[%add3A_119, %dma_start3A_123] : memref<160x128xi32, #tpu.memory_space<vmem>> -> memref<1x128xi32, #tpu.memory_space<vmem>>
      %dma_start3A_125 = tpu.memref_squeeze %dma_start3A_124 : memref<1x128xi32, #tpu.memory_space<vmem>> -> memref<128xi32, #tpu.memory_space<vmem>>
      %dma_start3A_126 = arith.constant 0 : i32
      %dma_start3A_127 = tpu.memref_slice %arg5[%dma_start3A_126] : memref<160256xf32, #tpu.memory_space<vmem_shared>> -> memref<160256xf32, #tpu.memory_space<vmem_shared>>
      tpu.enqueue_indirect_dma source(%dma_start3A_127 : memref<160256xf32, #tpu.memory_space<vmem_shared>>) target(%dma_start3A_122 : memref<128xf32, #tpu.memory_space<vmem>>) offsets(%dma_start3A_125 : memref<128xi32, #tpu.memory_space<vmem>>) semaphore(%arg12 : memref<!tpu.dma_semaphore, #tpu.memory_space<semaphore_mem>>)
      %mul3A_128 = arith.constant 8 : i32
      %mul3A_129 = arith.muli %scan3A_79, %mul3A_128 : i32
      %add3A_130 = arith.constant 4 : i32
      %add3A_131 = arith.addi %mul3A_129, %add3A_130 : i32
      %mul3A_132 = arith.constant 128 : i32
      %mul3A_133 = arith.muli %add3A_131, %mul3A_132 : i32
      %dma_start3A_134 = tpu.memref_slice %arg11[%mul3A_133] : memref<10240xf32, #tpu.memory_space<vmem>> -> memref<128xf32, #tpu.memory_space<vmem>>
      %dma_start3A_135 = arith.constant 0 : i32
      %dma_start3A_136 = tpu.memref_slice %arg8[%add3A_131, %dma_start3A_135] : memref<160x128xi32, #tpu.memory_space<vmem>> -> memref<1x128xi32, #tpu.memory_space<vmem>>
      %dma_start3A_137 = tpu.memref_squeeze %dma_start3A_136 : memref<1x128xi32, #tpu.memory_space<vmem>> -> memref<128xi32, #tpu.memory_space<vmem>>
      %dma_start3A_138 = arith.constant 0 : i32
      %dma_start3A_139 = tpu.memref_slice %arg5[%dma_start3A_138] : memref<160256xf32, #tpu.memory_space<vmem_shared>> -> memref<160256xf32, #tpu.memory_space<vmem_shared>>
      tpu.enqueue_indirect_dma source(%dma_start3A_139 : memref<160256xf32, #tpu.memory_space<vmem_shared>>) target(%dma_start3A_134 : memref<128xf32, #tpu.memory_space<vmem>>) offsets(%dma_start3A_137 : memref<128xi32, #tpu.memory_space<vmem>>) semaphore(%arg12 : memref<!tpu.dma_semaphore, #tpu.memory_space<semaphore_mem>>)
      %mul3A_140 = arith.constant 8 : i32
      %mul3A_141 = arith.muli %scan3A_79, %mul3A_140 : i32
      %add3A_142 = arith.constant 5 : i32
      %add3A_143 = arith.addi %mul3A_141, %add3A_142 : i32
      %mul3A_144 = arith.constant 128 : i32
      %mul3A_145 = arith.muli %add3A_143, %mul3A_144 : i32
      %dma_start3A_146 = tpu.memref_slice %arg11[%mul3A_145] : memref<10240xf32, #tpu.memory_space<vmem>> -> memref<128xf32, #tpu.memory_space<vmem>>
      %dma_start3A_147 = arith.constant 0 : i32
      %dma_start3A_148 = tpu.memref_slice %arg8[%add3A_143, %dma_start3A_147] : memref<160x128xi32, #tpu.memory_space<vmem>> -> memref<1x128xi32, #tpu.memory_space<vmem>>
      %dma_start3A_149 = tpu.memref_squeeze %dma_start3A_148 : memref<1x128xi32, #tpu.memory_space<vmem>> -> memref<128xi32, #tpu.memory_space<vmem>>
      %dma_start3A_150 = arith.constant 0 : i32
      %dma_start3A_151 = tpu.memref_slice %arg5[%dma_start3A_150] : memref<160256xf32, #tpu.memory_space<vmem_shared>> -> memref<160256xf32, #tpu.memory_space<vmem_shared>>
      tpu.enqueue_indirect_dma source(%dma_start3A_151 : memref<160256xf32, #tpu.memory_space<vmem_shared>>) target(%dma_start3A_146 : memref<128xf32, #tpu.memory_space<vmem>>) offsets(%dma_start3A_149 : memref<128xi32, #tpu.memory_space<vmem>>) semaphore(%arg12 : memref<!tpu.dma_semaphore, #tpu.memory_space<semaphore_mem>>)
      %mul3A_152 = arith.constant 8 : i32
      %mul3A_153 = arith.muli %scan3A_79, %mul3A_152 : i32
      %add3A_154 = arith.constant 6 : i32
      %add3A_155 = arith.addi %mul3A_153, %add3A_154 : i32
      %mul3A_156 = arith.constant 128 : i32
      %mul3A_157 = arith.muli %add3A_155, %mul3A_156 : i32
      %dma_start3A_158 = tpu.memref_slice %arg11[%mul3A_157] : memref<10240xf32, #tpu.memory_space<vmem>> -> memref<128xf32, #tpu.memory_space<vmem>>
      %dma_start3A_159 = arith.constant 0 : i32
      %dma_start3A_160 = tpu.memref_slice %arg8[%add3A_155, %dma_start3A_159] : memref<160x128xi32, #tpu.memory_space<vmem>> -> memref<1x128xi32, #tpu.memory_space<vmem>>
      %dma_start3A_161 = tpu.memref_squeeze %dma_start3A_160 : memref<1x128xi32, #tpu.memory_space<vmem>> -> memref<128xi32, #tpu.memory_space<vmem>>
      %dma_start3A_162 = arith.constant 0 : i32
      %dma_start3A_163 = tpu.memref_slice %arg5[%dma_start3A_162] : memref<160256xf32, #tpu.memory_space<vmem_shared>> -> memref<160256xf32, #tpu.memory_space<vmem_shared>>
      tpu.enqueue_indirect_dma source(%dma_start3A_163 : memref<160256xf32, #tpu.memory_space<vmem_shared>>) target(%dma_start3A_158 : memref<128xf32, #tpu.memory_space<vmem>>) offsets(%dma_start3A_161 : memref<128xi32, #tpu.memory_space<vmem>>) semaphore(%arg12 : memref<!tpu.dma_semaphore, #tpu.memory_space<semaphore_mem>>)
      %mul3A_164 = arith.constant 8 : i32
      %mul3A_165 = arith.muli %scan3A_79, %mul3A_164 : i32
      %add3A_166 = arith.constant 7 : i32
      %add3A_167 = arith.addi %mul3A_165, %add3A_166 : i32
      %mul3A_168 = arith.constant 128 : i32
      %mul3A_169 = arith.muli %add3A_167, %mul3A_168 : i32
      %dma_start3A_170 = tpu.memref_slice %arg11[%mul3A_169] : memref<10240xf32, #tpu.memory_space<vmem>> -> memref<128xf32, #tpu.memory_space<vmem>>
      %dma_start3A_171 = arith.constant 0 : i32
      %dma_start3A_172 = tpu.memref_slice %arg8[%add3A_167, %dma_start3A_171] : memref<160x128xi32, #tpu.memory_space<vmem>> -> memref<1x128xi32, #tpu.memory_space<vmem>>
      %dma_start3A_173 = tpu.memref_squeeze %dma_start3A_172 : memref<1x128xi32, #tpu.memory_space<vmem>> -> memref<128xi32, #tpu.memory_space<vmem>>
      %dma_start3A_174 = arith.constant 0 : i32
      %dma_start3A_175 = tpu.memref_slice %arg5[%dma_start3A_174] : memref<160256xf32, #tpu.memory_space<vmem_shared>> -> memref<160256xf32, #tpu.memory_space<vmem_shared>>
      tpu.enqueue_indirect_dma source(%dma_start3A_175 : memref<160256xf32, #tpu.memory_space<vmem_shared>>) target(%dma_start3A_170 : memref<128xf32, #tpu.memory_space<vmem>>) offsets(%dma_start3A_173 : memref<128xi32, #tpu.memory_space<vmem>>) semaphore(%arg12 : memref<!tpu.dma_semaphore, #tpu.memory_space<semaphore_mem>>)
      %mul3A_176 = arith.constant 8 : i32
      %mul3A_177 = arith.muli %scan3A_79, %mul3A_176 : i32
      %add3A_178 = arith.constant 0 : i32
      %add3A_179 = arith.addi %mul3A_177, %add3A_178 : i32
      %mul3A_180 = arith.constant 128 : i32
      %mul3A_181 = arith.muli %add3A_179, %mul3A_180 : i32
      %dma_wait3A = tpu.memref_slice %arg11[%mul3A_181] : memref<10240xf32, #tpu.memory_space<vmem>> -> memref<128xf32, #tpu.memory_space<vmem>>
      %dma_wait3A_182 = arith.constant 0 : i32
      %dma_wait3A_183 = tpu.memref_slice %arg8[%add3A_179, %dma_wait3A_182] : memref<160x128xi32, #tpu.memory_space<vmem>> -> memref<1x128xi32, #tpu.memory_space<vmem>>
      %dma_wait3A_184 = tpu.memref_squeeze %dma_wait3A_183 : memref<1x128xi32, #tpu.memory_space<vmem>> -> memref<128xi32, #tpu.memory_space<vmem>>
      %dma_wait3A_185 = arith.constant 0 : i32
      %dma_wait3A_186 = tpu.memref_slice %arg5[%dma_wait3A_185] : memref<160256xf32, #tpu.memory_space<vmem_shared>> -> memref<160256xf32, #tpu.memory_space<vmem_shared>>
      tpu.wait_indirect_dma semaphore(%arg12 : memref<!tpu.dma_semaphore, #tpu.memory_space<semaphore_mem>>) src(%dma_wait3A_186 : memref<160256xf32, #tpu.memory_space<vmem_shared>>) dst(%dma_wait3A : memref<128xf32, #tpu.memory_space<vmem>>)
      %mul3A_187 = arith.constant 8 : i32
      %mul3A_188 = arith.muli %scan3A_79, %mul3A_187 : i32
      %add3A_189 = arith.constant 1 : i32
      %add3A_190 = arith.addi %mul3A_188, %add3A_189 : i32
      %mul3A_191 = arith.constant 128 : i32
      %mul3A_192 = arith.muli %add3A_190, %mul3A_191 : i32
      %dma_wait3A_193 = tpu.memref_slice %arg11[%mul3A_192] : memref<10240xf32, #tpu.memory_space<vmem>> -> memref<128xf32, #tpu.memory_space<vmem>>
      %dma_wait3A_194 = arith.constant 0 : i32
      %dma_wait3A_195 = tpu.memref_slice %arg8[%add3A_190, %dma_wait3A_194] : memref<160x128xi32, #tpu.memory_space<vmem>> -> memref<1x128xi32, #tpu.memory_space<vmem>>
      %dma_wait3A_196 = tpu.memref_squeeze %dma_wait3A_195 : memref<1x128xi32, #tpu.memory_space<vmem>> -> memref<128xi32, #tpu.memory_space<vmem>>
      %dma_wait3A_197 = arith.constant 0 : i32
      %dma_wait3A_198 = tpu.memref_slice %arg5[%dma_wait3A_197] : memref<160256xf32, #tpu.memory_space<vmem_shared>> -> memref<160256xf32, #tpu.memory_space<vmem_shared>>
      tpu.wait_indirect_dma semaphore(%arg12 : memref<!tpu.dma_semaphore, #tpu.memory_space<semaphore_mem>>) src(%dma_wait3A_198 : memref<160256xf32, #tpu.memory_space<vmem_shared>>) dst(%dma_wait3A_193 : memref<128xf32, #tpu.memory_space<vmem>>)
      %mul3A_199 = arith.constant 8 : i32
      %mul3A_200 = arith.muli %scan3A_79, %mul3A_199 : i32
      %add3A_201 = arith.constant 2 : i32
      %add3A_202 = arith.addi %mul3A_200, %add3A_201 : i32
      %mul3A_203 = arith.constant 128 : i32
      %mul3A_204 = arith.muli %add3A_202, %mul3A_203 : i32
      %dma_wait3A_205 = tpu.memref_slice %arg11[%mul3A_204] : memref<10240xf32, #tpu.memory_space<vmem>> -> memref<128xf32, #tpu.memory_space<vmem>>
      %dma_wait3A_206 = arith.constant 0 : i32
      %dma_wait3A_207 = tpu.memref_slice %arg8[%add3A_202, %dma_wait3A_206] : memref<160x128xi32, #tpu.memory_space<vmem>> -> memref<1x128xi32, #tpu.memory_space<vmem>>
      %dma_wait3A_208 = tpu.memref_squeeze %dma_wait3A_207 : memref<1x128xi32, #tpu.memory_space<vmem>> -> memref<128xi32, #tpu.memory_space<vmem>>
      %dma_wait3A_209 = arith.constant 0 : i32
      %dma_wait3A_210 = tpu.memref_slice %arg5[%dma_wait3A_209] : memref<160256xf32, #tpu.memory_space<vmem_shared>> -> memref<160256xf32, #tpu.memory_space<vmem_shared>>
      tpu.wait_indirect_dma semaphore(%arg12 : memref<!tpu.dma_semaphore, #tpu.memory_space<semaphore_mem>>) src(%dma_wait3A_210 : memref<160256xf32, #tpu.memory_space<vmem_shared>>) dst(%dma_wait3A_205 : memref<128xf32, #tpu.memory_space<vmem>>)
      %mul3A_211 = arith.constant 8 : i32
      %mul3A_212 = arith.muli %scan3A_79, %mul3A_211 : i32
      %add3A_213 = arith.constant 3 : i32
      %add3A_214 = arith.addi %mul3A_212, %add3A_213 : i32
      %mul3A_215 = arith.constant 128 : i32
      %mul3A_216 = arith.muli %add3A_214, %mul3A_215 : i32
      %dma_wait3A_217 = tpu.memref_slice %arg11[%mul3A_216] : memref<10240xf32, #tpu.memory_space<vmem>> -> memref<128xf32, #tpu.memory_space<vmem>>
      %dma_wait3A_218 = arith.constant 0 : i32
      %dma_wait3A_219 = tpu.memref_slice %arg8[%add3A_214, %dma_wait3A_218] : memref<160x128xi32, #tpu.memory_space<vmem>> -> memref<1x128xi32, #tpu.memory_space<vmem>>
      %dma_wait3A_220 = tpu.memref_squeeze %dma_wait3A_219 : memref<1x128xi32, #tpu.memory_space<vmem>> -> memref<128xi32, #tpu.memory_space<vmem>>
      %dma_wait3A_221 = arith.constant 0 : i32
      %dma_wait3A_222 = tpu.memref_slice %arg5[%dma_wait3A_221] : memref<160256xf32, #tpu.memory_space<vmem_shared>> -> memref<160256xf32, #tpu.memory_space<vmem_shared>>
      tpu.wait_indirect_dma semaphore(%arg12 : memref<!tpu.dma_semaphore, #tpu.memory_space<semaphore_mem>>) src(%dma_wait3A_222 : memref<160256xf32, #tpu.memory_space<vmem_shared>>) dst(%dma_wait3A_217 : memref<128xf32, #tpu.memory_space<vmem>>)
      %mul3A_223 = arith.constant 8 : i32
      %mul3A_224 = arith.muli %scan3A_79, %mul3A_223 : i32
      %add3A_225 = arith.constant 4 : i32
      %add3A_226 = arith.addi %mul3A_224, %add3A_225 : i32
      %mul3A_227 = arith.constant 128 : i32
      %mul3A_228 = arith.muli %add3A_226, %mul3A_227 : i32
      %dma_wait3A_229 = tpu.memref_slice %arg11[%mul3A_228] : memref<10240xf32, #tpu.memory_space<vmem>> -> memref<128xf32, #tpu.memory_space<vmem>>
      %dma_wait3A_230 = arith.constant 0 : i32
      %dma_wait3A_231 = tpu.memref_slice %arg8[%add3A_226, %dma_wait3A_230] : memref<160x128xi32, #tpu.memory_space<vmem>> -> memref<1x128xi32, #tpu.memory_space<vmem>>
      %dma_wait3A_232 = tpu.memref_squeeze %dma_wait3A_231 : memref<1x128xi32, #tpu.memory_space<vmem>> -> memref<128xi32, #tpu.memory_space<vmem>>
      %dma_wait3A_233 = arith.constant 0 : i32
      %dma_wait3A_234 = tpu.memref_slice %arg5[%dma_wait3A_233] : memref<160256xf32, #tpu.memory_space<vmem_shared>> -> memref<160256xf32, #tpu.memory_space<vmem_shared>>
      tpu.wait_indirect_dma semaphore(%arg12 : memref<!tpu.dma_semaphore, #tpu.memory_space<semaphore_mem>>) src(%dma_wait3A_234 : memref<160256xf32, #tpu.memory_space<vmem_shared>>) dst(%dma_wait3A_229 : memref<128xf32, #tpu.memory_space<vmem>>)
      %mul3A_235 = arith.constant 8 : i32
      %mul3A_236 = arith.muli %scan3A_79, %mul3A_235 : i32
      %add3A_237 = arith.constant 5 : i32
      %add3A_238 = arith.addi %mul3A_236, %add3A_237 : i32
      %mul3A_239 = arith.constant 128 : i32
      %mul3A_240 = arith.muli %add3A_238, %mul3A_239 : i32
      %dma_wait3A_241 = tpu.memref_slice %arg11[%mul3A_240] : memref<10240xf32, #tpu.memory_space<vmem>> -> memref<128xf32, #tpu.memory_space<vmem>>
      %dma_wait3A_242 = arith.constant 0 : i32
      %dma_wait3A_243 = tpu.memref_slice %arg8[%add3A_238, %dma_wait3A_242] : memref<160x128xi32, #tpu.memory_space<vmem>> -> memref<1x128xi32, #tpu.memory_space<vmem>>
      %dma_wait3A_244 = tpu.memref_squeeze %dma_wait3A_243 : memref<1x128xi32, #tpu.memory_space<vmem>> -> memref<128xi32, #tpu.memory_space<vmem>>
      %dma_wait3A_245 = arith.constant 0 : i32
      %dma_wait3A_246 = tpu.memref_slice %arg5[%dma_wait3A_245] : memref<160256xf32, #tpu.memory_space<vmem_shared>> -> memref<160256xf32, #tpu.memory_space<vmem_shared>>
      tpu.wait_indirect_dma semaphore(%arg12 : memref<!tpu.dma_semaphore, #tpu.memory_space<semaphore_mem>>) src(%dma_wait3A_246 : memref<160256xf32, #tpu.memory_space<vmem_shared>>) dst(%dma_wait3A_241 : memref<128xf32, #tpu.memory_space<vmem>>)
      %mul3A_247 = arith.constant 8 : i32
      %mul3A_248 = arith.muli %scan3A_79, %mul3A_247 : i32
      %add3A_249 = arith.constant 6 : i32
      %add3A_250 = arith.addi %mul3A_248, %add3A_249 : i32
      %mul3A_251 = arith.constant 128 : i32
      %mul3A_252 = arith.muli %add3A_250, %mul3A_251 : i32
      %dma_wait3A_253 = tpu.memref_slice %arg11[%mul3A_252] : memref<10240xf32, #tpu.memory_space<vmem>> -> memref<128xf32, #tpu.memory_space<vmem>>
      %dma_wait3A_254 = arith.constant 0 : i32
      %dma_wait3A_255 = tpu.memref_slice %arg8[%add3A_250, %dma_wait3A_254] : memref<160x128xi32, #tpu.memory_space<vmem>> -> memref<1x128xi32, #tpu.memory_space<vmem>>
      %dma_wait3A_256 = tpu.memref_squeeze %dma_wait3A_255 : memref<1x128xi32, #tpu.memory_space<vmem>> -> memref<128xi32, #tpu.memory_space<vmem>>
      %dma_wait3A_257 = arith.constant 0 : i32
      %dma_wait3A_258 = tpu.memref_slice %arg5[%dma_wait3A_257] : memref<160256xf32, #tpu.memory_space<vmem_shared>> -> memref<160256xf32, #tpu.memory_space<vmem_shared>>
      tpu.wait_indirect_dma semaphore(%arg12 : memref<!tpu.dma_semaphore, #tpu.memory_space<semaphore_mem>>) src(%dma_wait3A_258 : memref<160256xf32, #tpu.memory_space<vmem_shared>>) dst(%dma_wait3A_253 : memref<128xf32, #tpu.memory_space<vmem>>)
      %mul3A_259 = arith.constant 8 : i32
      %mul3A_260 = arith.muli %scan3A_79, %mul3A_259 : i32
      %add3A_261 = arith.constant 7 : i32
      %add3A_262 = arith.addi %mul3A_260, %add3A_261 : i32
      %mul3A_263 = arith.constant 128 : i32
      %mul3A_264 = arith.muli %add3A_262, %mul3A_263 : i32
      %dma_wait3A_265 = tpu.memref_slice %arg11[%mul3A_264] : memref<10240xf32, #tpu.memory_space<vmem>> -> memref<128xf32, #tpu.memory_space<vmem>>
      %dma_wait3A_266 = arith.constant 0 : i32
      %dma_wait3A_267 = tpu.memref_slice %arg8[%add3A_262, %dma_wait3A_266] : memref<160x128xi32, #tpu.memory_space<vmem>> -> memref<1x128xi32, #tpu.memory_space<vmem>>
      %dma_wait3A_268 = tpu.memref_squeeze %dma_wait3A_267 : memref<1x128xi32, #tpu.memory_space<vmem>> -> memref<128xi32, #tpu.memory_space<vmem>>
      %dma_wait3A_269 = arith.constant 0 : i32
      %dma_wait3A_270 = tpu.memref_slice %arg5[%dma_wait3A_269] : memref<160256xf32, #tpu.memory_space<vmem_shared>> -> memref<160256xf32, #tpu.memory_space<vmem_shared>>
      tpu.wait_indirect_dma semaphore(%arg12 : memref<!tpu.dma_semaphore, #tpu.memory_space<semaphore_mem>>) src(%dma_wait3A_270 : memref<160256xf32, #tpu.memory_space<vmem_shared>>) dst(%dma_wait3A_265 : memref<128xf32, #tpu.memory_space<vmem>>)
      %scan3A_271 = arith.constant 0 : i32
      scf.yield %scan3A_271 : i32
    }
    %scan3A_71 = arith.constant 10 : i32
    %scan3A_72 = arith.constant 0 : i32
    %scan3A_73 = arith.constant 0 : i32
    %scan3A_74 = arith.constant 80 : i32
    %scan3A_75 = arith.addi %scan3A_73, %scan3A_74 : i32
    %scan3A_76 = arith.constant 1 : i32
    %scan3A_77 = scf.for %scan3A_79 = %scan3A_73 to %scan3A_75 step %scan3A_76 iter_args(%scan3A_80 = %scan3A_72) -> (i32)  : i32 {
      %mul3A_81 = arith.constant 128 : i32
      %mul3A_82 = arith.muli %scan3A_79, %mul3A_81 : i32
      %add3A_83 = arith.constant 0 : i32
      %add3A_84 = arith.addi %mul3A_82, %add3A_83 : i32
      %get3A = arith.index_cast %add3A_84 : i32 to index
      %get3A_85 = tpu.vector_load %arg11[%get3A] {strides = array<i32>} : memref<10240xf32, #tpu.memory_space<vmem>>, vector<16xf32>,
      %max3A = arith.constant 1.000000e+00 : f32
      %max3A_86 = vector.broadcast %max3A : f32 to vector<16xf32>
      %max3A_87 = arith.maximumf %get3A_85, %max3A_86 : vector<16xf32>
      %swap3A_88 = arith.index_cast %add3A_84 : i32 to index
      %swap3A_89 = tpu.vector_load %arg11[%swap3A_88] {strides = array<i32>} : memref<10240xf32, #tpu.memory_space<vmem>>, vector<16xf32>,
      tpu.vector_store %arg11[%swap3A_88], %max3A_87 {strides = array<i32>} : memref<10240xf32, #tpu.memory_space<vmem>>, vector<16xf32>,
      %mul3A_90 = arith.constant 128 : i32
      %mul3A_91 = arith.muli %scan3A_79, %mul3A_90 : i32
      %add3A_92 = arith.constant 16 : i32
      %add3A_93 = arith.addi %mul3A_91, %add3A_92 : i32
      %get3A_94 = arith.index_cast %add3A_93 : i32 to index
      %get3A_95 = tpu.vector_load %arg11[%get3A_94] {strides = array<i32>} : memref<10240xf32, #tpu.memory_space<vmem>>, vector<16xf32>,
      %max3A_96 = arith.constant 1.000000e+00 : f32
      %max3A_97 = vector.broadcast %max3A_96 : f32 to vector<16xf32>
      %max3A_98 = arith.maximumf %get3A_95, %max3A_97 : vector<16xf32>
      %swap3A_99 = arith.index_cast %add3A_93 : i32 to index
      %swap3A_100 = tpu.vector_load %arg11[%swap3A_99] {strides = array<i32>} : memref<10240xf32, #tpu.memory_space<vmem>>, vector<16xf32>,
      tpu.vector_store %arg11[%swap3A_99], %max3A_98 {strides = array<i32>} : memref<10240xf32, #tpu.memory_space<vmem>>, vector<16xf32>,
      %mul3A_101 = arith.constant 128 : i32
      %mul3A_102 = arith.muli %scan3A_79, %mul3A_101 : i32
      %add3A_103 = arith.constant 32 : i32
      %add3A_104 = arith.addi %mul3A_102, %add3A_103 : i32
      %get3A_105 = arith.index_cast %add3A_104 : i32 to index
      %get3A_106 = tpu.vector_load %arg11[%get3A_105] {strides = array<i32>} : memref<10240xf32, #tpu.memory_space<vmem>>, vector<16xf32>,
      %max3A_107 = arith.constant 1.000000e+00 : f32
      %max3A_108 = vector.broadcast %max3A_107 : f32 to vector<16xf32>
      %max3A_109 = arith.maximumf %get3A_106, %max3A_108 : vector<16xf32>
      %swap3A_110 = arith.index_cast %add3A_104 : i32 to index
      %swap3A_111 = tpu.vector_load %arg11[%swap3A_110] {strides = array<i32>} : memref<10240xf32, #tpu.memory_space<vmem>>, vector<16xf32>,
      tpu.vector_store %arg11[%swap3A_110], %max3A_109 {strides = array<i32>} : memref<10240xf32, #tpu.memory_space<vmem>>, vector<16xf32>,
      %mul3A_112 = arith.constant 128 : i32
      %mul3A_113 = arith.muli %scan3A_79, %mul3A_112 : i32
      %add3A_114 = arith.constant 48 : i32
      %add3A_115 = arith.addi %mul3A_113, %add3A_114 : i32
      %get3A_116 = arith.index_cast %add3A_115 : i32 to index
      %get3A_117 = tpu.vector_load %arg11[%get3A_116] {strides = array<i32>} : memref<10240xf32, #tpu.memory_space<vmem>>, vector<16xf32>,
      %max3A_118 = arith.constant 1.000000e+00 : f32
      %max3A_119 = vector.broadcast %max3A_118 : f32 to vector<16xf32>
      %max3A_120 = arith.maximumf %get3A_117, %max3A_119 : vector<16xf32>
      %swap3A_121 = arith.index_cast %add3A_115 : i32 to index
      %swap3A_122 = tpu.vector_load %arg11[%swap3A_121] {strides = array<i32>} : memref<10240xf32, #tpu.memory_space<vmem>>, vector<16xf32>,
      tpu.vector_store %arg11[%swap3A_121], %max3A_120 {strides = array<i32>} : memref<10240xf32, #tpu.memory_space<vmem>>, vector<16xf32>,
      %mul3A_123 = arith.constant 128 : i32
      %mul3A_124 = arith.muli %scan3A_79, %mul3A_123 : i32
      %add3A_125 = arith.constant 64 : i32
      %add3A_126 = arith.addi %mul3A_124, %add3A_125 : i32
      %get3A_127 = arith.index_cast %add3A_126 : i32 to index
      %get3A_128 = tpu.vector_load %arg11[%get3A_127] {strides = array<i32>} : memref<10240xf32, #tpu.memory_space<vmem>>, vector<16xf32>,
      %max3A_129 = arith.constant 1.000000e+00 : f32
      %max3A_130 = vector.broadcast %max3A_129 : f32 to vector<16xf32>
      %max3A_131 = arith.maximumf %get3A_128, %max3A_130 : vector<16xf32>
      %swap3A_132 = arith.index_cast %add3A_126 : i32 to index
      %swap3A_133 = tpu.vector_load %arg11[%swap3A_132] {strides = array<i32>} : memref<10240xf32, #tpu.memory_space<vmem>>, vector<16xf32>,
      tpu.vector_store %arg11[%swap3A_132], %max3A_131 {strides = array<i32>} : memref<10240xf32, #tpu.memory_space<vmem>>, vector<16xf32>,
      %mul3A_134 = arith.constant 128 : i32
      %mul3A_135 = arith.muli %scan3A_79, %mul3A_134 : i32
      %add3A_136 = arith.constant 80 : i32
      %add3A_137 = arith.addi %mul3A_135, %add3A_136 : i32
      %get3A_138 = arith.index_cast %add3A_137 : i32 to index
      %get3A_139 = tpu.vector_load %arg11[%get3A_138] {strides = array<i32>} : memref<10240xf32, #tpu.memory_space<vmem>>, vector<16xf32>,
      %max3A_140 = arith.constant 1.000000e+00 : f32
      %max3A_141 = vector.broadcast %max3A_140 : f32 to vector<16xf32>
      %max3A_142 = arith.maximumf %get3A_139, %max3A_141 : vector<16xf32>
      %swap3A_143 = arith.index_cast %add3A_137 : i32 to index
      %swap3A_144 = tpu.vector_load %arg11[%swap3A_143] {strides = array<i32>} : memref<10240xf32, #tpu.memory_space<vmem>>, vector<16xf32>,
      tpu.vector_store %arg11[%swap3A_143], %max3A_142 {strides = array<i32>} : memref<10240xf32, #tpu.memory_space<vmem>>, vector<16xf32>,
      %mul3A_145 = arith.constant 128 : i32
      %mul3A_146 = arith.muli %scan3A_79, %mul3A_145 : i32
      %add3A_147 = arith.constant 96 : i32
      %add3A_148 = arith.addi %mul3A_146, %add3A_147 : i32
      %get3A_149 = arith.index_cast %add3A_148 : i32 to index
      %get3A_150 = tpu.vector_load %arg11[%get3A_149] {strides = array<i32>} : memref<10240xf32, #tpu.memory_space<vmem>>, vector<16xf32>,
      %max3A_151 = arith.constant 1.000000e+00 : f32
      %max3A_152 = vector.broadcast %max3A_151 : f32 to vector<16xf32>
      %max3A_153 = arith.maximumf %get3A_150, %max3A_152 : vector<16xf32>
      %swap3A_154 = arith.index_cast %add3A_148 : i32 to index
      %swap3A_155 = tpu.vector_load %arg11[%swap3A_154] {strides = array<i32>} : memref<10240xf32, #tpu.memory_space<vmem>>, vector<16xf32>,
      tpu.vector_store %arg11[%swap3A_154], %max3A_153 {strides = array<i32>} : memref<10240xf32, #tpu.memory_space<vmem>>, vector<16xf32>,
      %mul3A_156 = arith.constant 128 : i32
      %mul3A_157 = arith.muli %scan3A_79, %mul3A_156 : i32
      %add3A_158 = arith.constant 112 : i32
      %add3A_159 = arith.addi %mul3A_157, %add3A_158 : i32
      %get3A_160 = arith.index_cast %add3A_159 : i32 to index
      %get3A_161 = tpu.vector_load %arg11[%get3A_160] {strides = array<i32>} : memref<10240xf32, #tpu.memory_space<vmem>>, vector<16xf32>,
      %max3A_162 = arith.constant 1.000000e+00 : f32
      %max3A_163 = vector.broadcast %max3A_162 : f32 to vector<16xf32>
      %max3A_164 = arith.maximumf %get3A_161, %max3A_163 : vector<16xf32>
      %swap3A_165 = arith.index_cast %add3A_159 : i32 to index
      %swap3A_166 = tpu.vector_load %arg11[%swap3A_165] {strides = array<i32>} : memref<10240xf32, #tpu.memory_space<vmem>>, vector<16xf32>,
      tpu.vector_store %arg11[%swap3A_165], %max3A_164 {strides = array<i32>} : memref<10240xf32, #tpu.memory_space<vmem>>, vector<16xf32>,
      %scan3A_167 = arith.constant 0 : i32
      scf.yield %scan3A_167 : i32
    }
    %scan3A_78 = arith.constant 80 : i32
    "tpu.region"() ({
      %run_scoped3A = tpu.sem_alloc : memref<!tpu.dma_semaphore, #tpu.memory_space<semaphore_mem>>
      %dma_start3A = arith.constant 0 : i32
      %dma_start3A_79 = tpu.memref_slice %arg11[%dma_start3A] : memref<10240xf32, #tpu.memory_space<vmem>> -> memref<10000xf32, #tpu.memory_space<vmem>>
      %dma_start3A_80 = tpu.memref_slice %arg4[%mul3A_57] : memref<320000xf32, #tpu.memory_space<hbm>> -> memref<10000xf32, #tpu.memory_space<hbm>>
      %dma_start3A_81 = tpu.memref_slice %arg4[%mul3A_57] : memref<320000xf32, #tpu.memory_space<hbm>> -> memref<10000xf32, #tpu.memory_space<hbm>>
      %dma_start3A_82 = arith.constant 0 : i32
      %dma_start3A_83 = tpu.memref_slice %arg11[%dma_start3A_82] : memref<10240xf32, #tpu.memory_space<vmem>> -> memref<10000xf32, #tpu.memory_space<vmem>>
      tpu.enqueue_dma source(%dma_start3A_83 : memref<10000xf32, #tpu.memory_space<vmem>>) target(%dma_start3A_81 : memref<10000xf32, #tpu.memory_space<hbm>>) target_semaphore(%run_scoped3A : memref<!tpu.dma_semaphore, #tpu.memory_space<semaphore_mem>>)
      %dma_wait3A = arith.constant 0 : i32
      %dma_wait3A_84 = tpu.memref_slice %arg11[%dma_wait3A] : memref<10240xf32, #tpu.memory_space<vmem>> -> memref<10000xf32, #tpu.memory_space<vmem>>
      %dma_wait3A_85 = tpu.memref_slice %arg4[%mul3A_57] : memref<320000xf32, #tpu.memory_space<hbm>> -> memref<10000xf32, #tpu.memory_space<hbm>>
      %dma_wait3A_86 = tpu.memref_slice %arg4[%mul3A_57] : memref<320000xf32, #tpu.memory_space<hbm>> -> memref<10000xf32, #tpu.memory_space<hbm>>
      %dma_wait3A_87 = arith.constant 0 : i32
      %dma_wait3A_88 = tpu.memref_slice %arg11[%dma_wait3A_87] : memref<10240xf32, #tpu.memory_space<vmem>> -> memref<10000xf32, #tpu.memory_space<vmem>>
      tpu.wait_dma2 semaphore(%run_scoped3A : memref<!tpu.dma_semaphore, #tpu.memory_space<semaphore_mem>>) src(%dma_wait3A_88 : memref<10000xf32, #tpu.memory_space<vmem>>) dst(%dma_wait3A_86 : memref<10000xf32, #tpu.memory_space<hbm>>)
      tpu.yield
    }) : () -> ()
    return
  }
}

</mosaic_0001>

<sc_bundles>
// kernel: _edge_counts.3.cloned.1.call-start
scs
__scs_entry_jumppad:
0x0: {  	(pc) =	sbr.rel $0x88, $3  }
0x1: {  	(tag) =	ssettag $0x0;
	lr =	simm.s32 $0x1  }
0x2: {  	[smem:$0x3F9F] =	sst lr;
	_ =	strace $0xD0000000  }
0x3: {  	_ = 	snop  }
0x4: {  	_ = 	snop  }
0x5: {  	_ = 	snop  }
0x6: {  	_ = 	snop  }
0x7: {  	_ = 	snop  }
__scs_overlays_trampoline_lowered:
0x8: {  	[smem:$0x3FAE] =	sst s0  }
0x9: {  	[smem:$0x3FAF] =	sst s1  }
0xa: {  	[smem:$0x3FB0] =	sst s2  }
0xb: {  	[smem:$0x3FB1] =	sst s3  }
0xc: {  	[smem:$0x3FB2] =	sst s4  }
0xd: {  	[smem:$0x3FB3] =	sst s5  }
0xe: {  	[smem:$0x3FB4] =	sst s6  }
0xf: {  	[smem:$0x3FB5] =	sst s7  }
0x10: {  	[smem:$0x3FB6] =	sst s8  }
0x11: {  	[smem:$0x3FB7] =	sst s9;
	s0 =	simm.s32 @!p0 $0x0  }
0x12: {  	s1 =	sld [smem:$0x3F9D];
	s0 =	simm.s32 @p0 $0x1  }
0x13: {  	[smem:$0x3FB8] =	sst s0;
	s0 =	simm.s32 @!p1 $0x0  }
0x14: {  	s2 =	sld [smem:$0x3F9C];
	s0 =	simm.s32 @p1 $0x1  }
0x15: {  	[smem:$0x3FB9] =	sst s0;
	s0 =	simm.s32 @!p2 $0x0  }
0x16: {  	s3 =	sld [smem:$0x3FDB];
	s0 =	simm.s32 @p2 $0x1  }
0x17: {  	s4 =	simm.s32 $0x1BF5;
	[smem:$0x3FBB] =	sst s0  }
0x18: {  	s0 =	sld [smem:$0x3F9E];
	_ =	swait.ge [sflag:s4], $0x0  }
0x19: {  	s7 =	sld [smem:$0x3F9F]  }
0x1a: {  	s8 =	sadd.s32 $0xFFFFE003, lr  }
0x1b: {  	s9 =	sadd.s32 $0xFFFFFEF7, lr;
	s5 =	simm.s32 $0xFFFFFFFF;
	p2 =	slt.u32 s8, $0xFFFFF086  }
0x1c: {  	p1 =	slt.u32 s9, $0xF7A;
	s5 =	simm.s32 @!p2 $0x0  }
0x1d: {  	s5 =	simm.s32 @p1 $0x1;
	p0 =	seq.s32 s7, s2  }
0x1e: {  	s7 =	smul.u32 @!p0 $0xF7A, s2;
	p2 =	seq.s32 @!p0 s5, $0x0  }
0x1f: {  	s9 =	smul.u32 $0xF7A, s1;
	s8 =	simm.s32 @!p0 $0x1BF5;
	p2 =	por !p2, p0  }
0x20: {  	[sflag:s8] =	ssyncset.s32 @!p0 $0xFFFFF086;
	s6 =	sadd.s32 @!p0 s3, s7;
	s7 =	simm.s32 @!p0 $0x108  }
0x21: {  	s3 =	sadd.s32 s3, s9;
	s6 =	sadd.s32 @!p0 $0x88, s6;
	s7 =	simm.s32 @p2 $0x1082  }
0x22: {  	[simem:s7], [sflag:s8] =	dma.local @!p0 [hbm:s6], $0xF7A  }
0x23: {  	s9 =	sor.u32 $0xD0000000, s2;
	s6 =	simm.s32 $0x108;
	_ =	swait.ge @!p0 [sflag:s8], $0x0  }
0x24: {  	s3 =	sadd.s32 $0x88, s3;
	s6 =	simm.s32 @!p1 $0x1082;
	[sflag:s4] =	ssyncset.s32 $0xFFFFF086  }
0x25: {  	[simem:s6], [sflag:s4] =	dma.local [hbm:s3], $0xF7A  }
0x26: {  	[smem:$0x3F9F] =	sst s1;
	(tag) =	ssettag s2;
	_ =	strace s9  }
0x27: {  	s1 =	sld [smem:$0x3FAF]  }
0x28: {  	s2 =	sld [smem:$0x3FB0]  }
0x29: {  	s4 =	sld [smem:$0x3FB2]  }
0x2a: {  	p0 =	seq.s32 s5, $0x0;
	s5 =	sld [smem:$0x3FB3]  }
0x2b: {  	s6 =	sld [smem:$0x3FB4]  }
0x2c: {  	s7 =	sld [smem:$0x3FB5]  }
0x2d: {  	s3 =	simm.s32 $0x108;
	s8 =	sld [smem:$0x3FB6]  }
0x2e: {  	s3 =	simm.s32 @!p0 $0x1082;
	s9 =	sld [smem:$0x3FB7]  }
0x2f: {  	lr =	sadd.s32 s0, s3;
	s0 =	sld [smem:$0x3FAE]  }
0x30: {  	s3 =	sld [smem:$0x3FB1]  }
0x31: {  	[smem:$0x3FBA] =	sst s10  }
0x32: {  	s10 =	sld [smem:$0x3FB8];
	_ =	sdelay $0x3  }
0x33: {  	p0 =	seq.s32 s10, $0x1;
	s10 =	sld [smem:$0x3FBA];
	_ =	sdelay $0x3  }
0x34: {  	[smem:$0x3FBA] =	sst s10  }
0x35: {  	s10 =	sld [smem:$0x3FB9];
	_ =	sdelay $0x3  }
0x36: {  	p1 =	seq.s32 s10, $0x1;
	s10 =	sld [smem:$0x3FBA];
	_ =	sdelay $0x3  }
0x37: {  	[smem:$0x3FBA] =	sst s10  }
0x38: {  	s10 =	sld [smem:$0x3FBB]  }
0x39: {  	_ = 	snop;
	(pc) =	sbr.ind lr, $3  }
0x3a: {  	_ = 	snop  }
0x3b: {  	_ = 	snop  }
0x3c: {  	p2 =	seq.s32 s10, $0x1;
	s10 =	sld [smem:$0x3FBA]  }
0x3d: {  	_ =	shalt  }
0x3e: {  	_ =	shalt  }
0x3f: {  	_ =	shalt  }
0x40: {  	_ =	shalt  }
0x41: {  	_ =	shalt  }
0x42: {  	_ =	shalt  }
0x43: {  	_ =	shalt  }
0x44: {  	_ =	shalt  }
0x45: {  	_ =	shalt  }
0x46: {  	_ =	shalt  }
0x47: {  	_ =	shalt  }
0x48: {  	_ =	shalt  }
0x49: {  	_ =	shalt  }
0x4a: {  	_ =	shalt  }
0x4b: {  	_ =	shalt  }
0x4c: {  	_ =	shalt  }
0x4d: {  	_ =	shalt  }
0x4e: {  	_ =	shalt  }
0x4f: {  	_ =	shalt  }
0x50: {  	_ =	shalt  }
0x51: {  	_ =	shalt  }
0x52: {  	_ =	shalt  }
0x53: {  	_ =	shalt  }
0x54: {  	_ =	shalt  }
0x55: {  	_ =	shalt  }
0x56: {  	_ =	shalt  }
0x57: {  	_ =	shalt  }
0x58: {  	_ =	shalt  }
0x59: {  	_ =	shalt  }
0x5a: {  	_ =	shalt  }
0x5b: {  	_ =	shalt  }
0x5c: {  	_ =	shalt  }
0x5d: {  	_ =	shalt  }
0x5e: {  	_ =	shalt  }
0x5f: {  	_ =	shalt  }
0x60: {  	_ =	shalt  }
0x61: {  	_ =	shalt  }
0x62: {  	_ =	shalt  }
0x63: {  	_ =	shalt  }
0x64: {  	_ =	shalt  }
0x65: {  	_ =	shalt  }
0x66: {  	_ =	shalt  }
0x67: {  	_ =	shalt  }
0x68: {  	_ =	shalt  }
0x69: {  	_ =	shalt  }
0x6a: {  	_ =	shalt  }
0x6b: {  	_ =	shalt  }
0x6c: {  	_ =	shalt  }
0x6d: {  	_ =	shalt  }
0x6e: {  	_ =	shalt  }
0x6f: {  	_ =	shalt  }
0x70: {  	_ =	shalt  }
0x71: {  	_ =	shalt  }
0x72: {  	_ =	shalt  }
0x73: {  	_ =	shalt  }
0x74: {  	_ =	shalt  }
0x75: {  	_ =	shalt  }
0x76: {  	_ =	shalt  }
0x77: {  	_ =	shalt  }
0x78: {  	_ =	shalt  }
0x79: {  	_ =	shalt  }
0x7a: {  	_ =	shalt  }
0x7b: {  	_ =	shalt  }
0x7c: {  	_ =	shalt  }
0x7d: {  	_ =	shalt  }
0x7e: {  	_ =	shalt  }
0x7f: {  	_ =	shalt  }
0x80: {  	_ =	shalt  }
0x81: {  	_ =	shalt  }
0x82: {  	_ =	shalt  }
0x83: {  	_ =	shalt  }
0x84: {  	_ =	shalt  }
0x85: {  	_ =	shalt  }
0x86: {  	_ =	shalt  }
0x87: {  	_ =	shalt  }
.Lfunc_end0:
.L_simem_size_0:
called_computation_lowered:
.L_overlay_start_0:
0x88: {  	s2 =	sld [smem:$0x3FD9]  }
0x89: {  	s3 =	sld [smem:$0x3FFE];
	_ =	sdelay $0x1  }
0x8a: {  	s1 =	srdreg.scid  }
0x8b: {  	s0 =	sand.u32 $0x1, s1  }
0x8c: {  	s18 =	sshll.u32 s0, $0xA;
	s2 =	sadd.s32 s3, s2  }
0x8d: {  	s2 =	sadd.s32 s2, s18  }
0x8e: {  	[smem:$0x3FC6] =	sst s2  }
0x8f: {  	_ = 	snop  }
0x90: {  	s2 =	sld [smem:$0x3FC9]  }
0x91: {  	s19 =	sld [smem:$0x3FC8]  }
0x92: {  	s4 =	sld [smem:$0x3FD0];
	(tm) =	ssettm $0x1  }
0x93: {  	s5 =	sld [smem:$0x3FFB];
	_ =	sdelay $0x3  }
0x94: {  	_ =	strace s5  }
0x95: {  	s5 =	sld [smem:$0x3FFC];
	_ =	sdelay $0x3  }
0x96: {  	_ =	strace s5  }
0x97: {  	s5 =	sld [smem:$0x3FFD];
	_ =	sdelay $0x3  }
0x98: {  	_ =	strace s5  }
0x99: {  	_ =	strace $0x8FFFFFFF  }
0x9a: {  	s20 =	sld [smem:$0x3FDB];
	_ =	sdelay $0x1  }
0x9b: {  	s6 =	simm.s32 $_scs_section_size  }
0x9c: {  	s7 =	simm.s32 $_size__tile_overlayer_lowered;
	s8 =	simm.s32 $_tile_overlayer_lowered  }
0x9d: {  	s23 =	simm.s32 $0x1BFF;
	s22 =	sshll.u32 s8, $0x1;
	s5 =	sadd.s32 s6, s20  }
0x9e: {  	s9 =	simm.s32 $0x0;
	s21 =	sshll.u32 s7, $0x1;
	s7 =	sadd.s32 s22, s5  }
0x9f: {  	[timem:s9], [sflag:s23] =	dma.local [hbm:s7], s21  }
0xa0: {  	_ =	swait.ge [sflag:s23], s21  }
0xa1: {  	s6 =	ssub.s32 $0x0, s21;
	[sflag:s23] =	ssyncset.done $0x0  }
0xa2: {  	[sflag:s23] =	ssyncadd.s32 s6;
	_ =	sdelay $0x1  }
0xa3: {  	s24 =	simm.s32 $0x1B8B  }
0xa4: {  	_ =	swait.ge [sflag:s24], $0x1  }
0xa5: {  	[sflag:s24] =	ssyncset.done $0x0  }
0xa6: {  	s25 =	simm.s32 $0x1B8E;
	[sflag:s24] =	ssyncadd.s32 $0xFFFFFFFF  }
0xa7: {  	s26 =	simm.s32 $execute0_lowered;
	[smem:$0x3FD2] =	sst s25  }
0xa8: {  	s6 =	sshll.u32 s26, $0x1;
	_ =	strace $0x80000046;
	[dreg:$0x1] =	wrdreg $0xFFFFFFFF  }
0xa9: {  	s28 =	simm.s32 $_size_execute0_lowered;
	s5 =	sadd.s32 s5, s6;
	[dreg:$0x0] =	wrdreg $0x0  }
0xaa: {  	s6 =	sshll.u32 s28, $0x1;
	[dreg:$0x2] =	wrdreg s5  }
0xab: {  	[dreg:$0x3] =	wrdreg s6  }
0xac: {  	[dreg:$0x4] =	wrdreg $0xC0  }
0xad: {  	_ =	task [dreg:s9], $0x5FFFF  }
0xae: {  	[dreg:$0x1] =	wrdreg $0xFFFFFFFF  }
0xaf: {  	[dreg:$0x0] =	wrdreg $0x60  }
0xb0: {  	[dreg:$0x2] =	wrdreg s2  }
0xb1: {  	[dreg:$0x3] =	wrdreg s19  }
0xb2: {  	[dreg:$0x4] =	wrdreg s4  }
0xb3: {  	[dreg:$0x5] =	wrdreg $0x0  }
0xb4: {  	[dreg:$0x6] =	wrdreg $0x9  }
0xb5: {  	_ =	task.clear_ibuf [dreg:s9], $0x7FFFF;
	_ =	strace $0x90000046  }
0xb6: {  	s29 =	simm.s32 $0x9;
	_ =	strace $0x80000048  }
0xb7: {  	_ =	swait.ge [sflag:s29], $0x1  }
0xb8: {  	[sflag:s29] =	ssyncadd.s32 $0xFFFFFFFF  }
0xb9: {  	_ =	strace $0x90000048  }
0xba: {  	_ =	sfence  }
0xbb: {  	s30 =	sld [smem:$0x0];
	_ =	sdelay $0x2  }
0xbc: {  	s31 =	sshll.u32 s1, $0xD;
	s1 =	sshrl.u32 s1, $0x2  }
0xbd: {  	s3 =	sand.u32 $0x4000, s31;
	s1 =	sadd.s32 s1, s30  }
0xbe: {  	s0 =	sor.u32 s3, s0;
	s1 =	sshll.u32 s1, $0x11  }
0xbf: {  	s0 =	sor.u32 s1, s0  }
0xc0: {  	s0 =	sadd.s32 $0x8F2B, s0  }
0xc1: {  	[sflag:s0] =	ssyncadd.remote.s32 $0x1  }
0xc2: {  	_ =	sfence.sel $0xFFFF  }
0xc3: {  	[dreg:$0x0] =	wrdreg $0xFFFFFFFF;
	(pc) =	sbr.abs _section_cstart, $3  }
0xc4: {  	[dreg:$0x1] =	wrdreg $0xFFFFFFFF  }
0xc5: {  	_ =	task.clear_ibuf [dreg:s9], $0x2FFFF;
	_ =	strace $0x9FFFFFFF  }
0xc6: {  	(tm) =	ssettm $0x7FFFFFFF  }
0xc7: {  	_ =	shalt  }
tec
execute0_lowered:
.L_overlay_start_1:
0x0: {  	(tag) =	ssettag $0x1  }
0x1: {  	s7 =	rddreg [dreg:$0x0]  }
0x2: {  	s8 =	rddreg [dreg:$0x1]  }
0x3: {  	s9 =	rddreg [dreg:$0x2]  }
0x4: {  	s1 =	rddreg [dreg:$0x3]  }
0x5: {  	s0 =	rddreg [dreg:$0x4];
	s3 =	simm.s32 $0x0  }
0x6: {  	s4 =	srdreg.scid;
	s2 =	stileid.u32;
	s13 =	simm.s32 $0x2720  }
0x7: {  	s14 =	simm.s32 $0x75A0;
	s15 =	simm.s32 $0x80;
	s16 =	simm.s32 $0x11420  }
0x8: {  	s17 =	simm.s32 $0x1;
	s18 =	simm.s32 $0x13C20;
	s19 =	simm.s32 $0x0  }
0x9: {  	[smem:$0x7FF] =	sst s3;
	s4 =	sand.u32 $0x1, s4;
	s6 =	smul.u32 $0x9C80, s2  }
0xa: {  	s5 =	sshll.u32 s2, $0x1;
	s11 =	smul.u32 $0x9C4, s2;
	s10 =	ssub.s32 $0x2, s4  }
0xb: {  	s4 =	sor.u32 s4, s5;
	_ =	strace $0x80000047;
	s31 =	sshrl.u32 s10, $0x1  }
0xc: {  	s6 =	sshrl.u32 s6, $0x2;
	s12 =	smul.u32 $0x4E2, s4;
	s5 =	sadd.s32 s7, s11  }
0xd: {  	s10 =	ssub.s32 s10, s31;
	s4 =	sadd.s32 s6, s1;
	s6 =	sadd.s32 s8, s11  }
0xe: {  	s11 =	simm.s32 $0x114A0;
	s7 =	sadd.s32 s7, s12;
	s8 =	sadd.s32 s8, s12  }
0xf: {  	v0 =	vimm.f32 $0.0e+00;
	v1 =	vimm.f32 $1.000000000e+00;
	s9 =	sadd.s32 s9, s12;
	s10 =	smax.u32 s10, $0x1;
	s12 =	simm.s32 $0x2  }
.LBB2_1:
0x10: {  	s20 =	simm.s32 $0x40;
	s21 =	simm.s32 $0x0  }
.LBB2_2:
0x11: {  	p0 =	sne.s32 s20, $0x9C40;
	[tilespmem:s21+$0x114A0] =	vst v0;
	s21 =	smov.u32 s20;
	s20 =	sadd.s32 $0x40, s20  }
.Ltmp0:
0x12: {  	(pc) =	sbr.rel @p0 .LBB2_2-.Ltmp0, $2  }
0x13: {  	_ =	sdelay $0x2  }
0x14: {  	s21 =	sshra.s32 s21, $0x2  }
0x15: {  	[tilespmem:s21+$0x114A0] =	vst v0  }
0x16: {  	[tilespmem:$0x11420] =	vst v1  }
0x17: {  	[tilespmem:$0x11430] =	vst v1  }
0x18: {  	[tilespmem:$0x11440] =	vst v1  }
0x19: {  	[tilespmem:$0x11450] =	vst v1  }
0x1a: {  	[tilespmem:$0x11460] =	vst v1  }
0x1b: {  	[tilespmem:$0x11470] =	vst v1  }
0x1c: {  	[tilespmem:$0x11480] =	vst v1  }
0x1d: {  	[tilespmem:$0x11490] =	vst v1  }
0x1e: {  	[spmem:s4] =	stream.linear.scatter [tilespmem:s11], [sflag:$0x2], $0x2720, $0x38;
	[tilespmem:$0x16420] =	vst v63  }
0x1f: {  	_ =	swait.ge [sflag:s12], $0x2720  }
0x20: {  	[sflag:s12] =	ssyncset.done $0x0  }
0x21: {  	[sflag:s12] =	ssyncadd.s32 $0xFFFFD8E0  }
0x22: {  	[bflag:$0x0] =	sbarrier.arrive $0xFFFF  }
0x23: {  	[tilespmem:s13], [sflag:$0x2] =	stream.linear.gather [hbm4b:s5+s3], $0x4E20, $0x38;
	[tilespmem:$0x16420] =	vst v63  }
0x24: {  	_ =	swait.ge [sflag:s12], $0x4E20  }
0x25: {  	[sflag:s12] =	ssyncset.done $0x0  }
0x26: {  	[sflag:s12] =	ssyncadd.s32 $0xFFFFB1E0  }
0x27: {  	[tilespmem:s14], [sflag:$0x2] =	stream.linear.gather [hbm4b:s6+s3], $0x4E20, $0x38;
	[tilespmem:$0x16420] =	vst v63  }
0x28: {  	_ =	swait.ge [sflag:s12], $0x4E20  }
0x29: {  	[sflag:s12] =	ssyncset.done $0x0  }
0x2a: {  	s20 =	simm.s32 $0x2760;
	[sflag:s12] =	ssyncadd.s32 $0xFFFFB1E0  }
0x2b: {  	s22 =	simm.s32 $0x75E0;
	v2 =	vld [tilespmem:s20+$0xFFFFFFC0]  }
0x2c: {  	v3 =	vld [tilespmem:s22+$0xFFFFFFC0];
	_ =	sdelay $0x3  }
0x2d: {  	v2 =	vshll.u32 v2, $0x4  }
0x2e: {  	p0 =	por $0x1, $0x1;
	v2 =	vadd.s32 v3, v2  }
0x2f: {  	s21 =	simm.s32 $0xC460;
	v2 =	vpsel !p0, $0x27100, v2  }
0x30: {  	[tilespmem:s21+$0xFFFFFFC0] =	vst v2  }
0x31: {  	v2 =	vld [tilespmem:s20+$0xFFFFFFD0]  }
0x32: {  	v3 =	vld [tilespmem:s22+$0xFFFFFFD0];
	_ =	sdelay $0x3  }
0x33: {  	v2 =	vshll.u32 v2, $0x4  }
0x34: {  	p6 =	por $0x1, $0x1;
	v2 =	vadd.s32 v3, v2  }
0x35: {  	v2 =	vpsel !p6, $0x27100, v2  }
0x36: {  	[tilespmem:s21+$0xFFFFFFD0] =	vst v2  }
0x37: {  	v2 =	vld [tilespmem:s20+$0xFFFFFFE0]  }
0x38: {  	v3 =	vld [tilespmem:s22+$0xFFFFFFE0];
	_ =	sdelay $0x3  }
0x39: {  	v2 =	vshll.u32 v2, $0x4  }
0x3a: {  	p1 =	por $0x1, $0x1;
	v2 =	vadd.s32 v3, v2  }
0x3b: {  	v2 =	vpsel !p1, $0x27100, v2  }
0x3c: {  	[tilespmem:s21+$0xFFFFFFE0] =	vst v2  }
0x3d: {  	v2 =	vld [tilespmem:s20+$0xFFFFFFF0]  }
0x3e: {  	v3 =	vld [tilespmem:s22+$0xFFFFFFF0];
	_ =	sdelay $0x3  }
0x3f: {  	v2 =	vshll.u32 v2, $0x4  }
0x40: {  	p2 =	por $0x1, $0x1;
	v2 =	vadd.s32 v3, v2  }
0x41: {  	v2 =	vpsel !p2, $0x27100, v2  }
0x42: {  	[tilespmem:s21+$0xFFFFFFF0] =	vst v2  }
0x43: {  	v2 =	vld [tilespmem:s20+$0x0]  }
0x44: {  	v3 =	vld [tilespmem:s22+$0x0];
	_ =	sdelay $0x3  }
0x45: {  	v2 =	vshll.u32 v2, $0x4  }
0x46: {  	p3 =	por $0x1, $0x1;
	v2 =	vadd.s32 v3, v2  }
0x47: {  	v2 =	vpsel !p3, $0x27100, v2  }
0x48: {  	[tilespmem:s21+$0x0] =	vst v2  }
0x49: {  	v2 =	vld [tilespmem:s20+$0x10]  }
0x4a: {  	v3 =	vld [tilespmem:s22+$0x10];
	_ =	sdelay $0x3  }
0x4b: {  	v2 =	vshll.u32 v2, $0x4  }
0x4c: {  	p4 =	por $0x1, $0x1;
	v2 =	vadd.s32 v3, v2  }
0x4d: {  	v2 =	vpsel !p4, $0x27100, v2  }
0x4e: {  	[tilespmem:s21+$0x10] =	vst v2  }
0x4f: {  	v2 =	vld [tilespmem:s20+$0x20]  }
0x50: {  	v3 =	vld [tilespmem:s22+$0x20];
	_ =	sdelay $0x3  }
0x51: {  	v2 =	vshll.u32 v2, $0x4  }
0x52: {  	p5 =	por $0x1, $0x1;
	v2 =	vadd.s32 v3, v2  }
0x53: {  	v2 =	vpsel !p5, $0x27100, v2  }
0x54: {  	[tilespmem:s21+$0x20] =	vst v2  }
0x55: {  	v2 =	vld [tilespmem:s20+$0x30]  }
0x56: {  	v3 =	vld [tilespmem:s22+$0x30];
	_ =	sdelay $0x3  }
0x57: {  	v2 =	vshll.u32 v2, $0x4  }
0x58: {  	p6 =	por $0x1, $0x1;
	v2 =	vadd.s32 v3, v2  }
0x59: {  	v2 =	vpsel !p6, $0x27100, v2  }
0x5a: {  	s22 =	simm.s32 $0x27E0;
	[tilespmem:s21+$0x30] =	vst v2  }
0x5b: {  	s24 =	simm.s32 $0x170;
	s23 =	simm.s32 $0x7660;
	s20 =	simm.s32 $0xF0;
	v2 =	vld [tilespmem:s22+$0xFFFFFFC0]  }
.LBB2_4:
0x5c: {  	p0 =	sne.s32 s24, $0x4FF0;
	v3 =	vld [tilespmem:s23+$0xFFFFFFC0];
	_ =	sdelay $0x3  }
0x5d: {  	s25 =	sadd.s32 $0xFFFFFF90, s20;
	v2 =	vshll.u32 v2, $0x4  }
0x5e: {  	p1 =	slt.u32 s25, $0x4E20;
	v2 =	vadd.s32 v3, v2  }
0x5f: {  	s21 =	sadd.s32 $0x80, s21;
	v2 =	vpsel !p1, $0x27100, v2  }
0x60: {  	[tilespmem:s21+$0xFFFFFFC0] =	vst v2  }
0x61: {  	v2 =	vld [tilespmem:s22+$0xFFFFFFD0]  }
0x62: {  	v3 =	vld [tilespmem:s23+$0xFFFFFFD0];
	_ =	sdelay $0x3  }
0x63: {  	s25 =	sadd.s32 $0xFFFFFFA0, s20;
	v2 =	vshll.u32 v2, $0x4  }
0x64: {  	p1 =	slt.u32 s25, $0x4E20;
	v2 =	vadd.s32 v3, v2  }
0x65: {  	v2 =	vpsel !p1, $0x27100, v2  }
0x66: {  	[tilespmem:s21+$0xFFFFFFD0] =	vst v2  }
0x67: {  	v2 =	vld [tilespmem:s22+$0xFFFFFFE0]  }
0x68: {  	v3 =	vld [tilespmem:s23+$0xFFFFFFE0];
	_ =	sdelay $0x3  }
0x69: {  	s25 =	sadd.s32 $0xFFFFFFB0, s20;
	v2 =	vshll.u32 v2, $0x4  }
0x6a: {  	p1 =	slt.u32 s25, $0x4E20;
	v2 =	vadd.s32 v3, v2  }
0x6b: {  	v2 =	vpsel !p1, $0x27100, v2  }
0x6c: {  	[tilespmem:s21+$0xFFFFFFE0] =	vst v2  }
0x6d: {  	v2 =	vld [tilespmem:s22+$0xFFFFFFF0]  }
0x6e: {  	v3 =	vld [tilespmem:s23+$0xFFFFFFF0];
	_ =	sdelay $0x3  }
0x6f: {  	s25 =	sadd.s32 $0xFFFFFFC0, s20;
	v2 =	vshll.u32 v2, $0x4  }
0x70: {  	p1 =	slt.u32 s25, $0x4E20;
	v2 =	vadd.s32 v3, v2  }
0x71: {  	v2 =	vpsel !p1, $0x27100, v2  }
0x72: {  	[tilespmem:s21+$0xFFFFFFF0] =	vst v2  }
0x73: {  	v2 =	vld [tilespmem:s22+$0x0]  }
0x74: {  	v3 =	vld [tilespmem:s23+$0x0];
	_ =	sdelay $0x3  }
0x75: {  	s25 =	sadd.s32 $0xFFFFFFD0, s20;
	v2 =	vshll.u32 v2, $0x4  }
0x76: {  	p1 =	slt.u32 s25, $0x4E20;
	v2 =	vadd.s32 v3, v2  }
0x77: {  	v2 =	vpsel !p1, $0x27100, v2  }
0x78: {  	[tilespmem:s21+$0x0] =	vst v2  }
0x79: {  	v2 =	vld [tilespmem:s22+$0x10]  }
0x7a: {  	v3 =	vld [tilespmem:s23+$0x10];
	_ =	sdelay $0x3  }
0x7b: {  	s25 =	sadd.s32 $0xFFFFFFE0, s20;
	v2 =	vshll.u32 v2, $0x4  }
0x7c: {  	p1 =	slt.u32 s25, $0x4E20;
	v2 =	vadd.s32 v3, v2  }
0x7d: {  	v2 =	vpsel !p1, $0x27100, v2  }
0x7e: {  	[tilespmem:s21+$0x10] =	vst v2  }
0x7f: {  	v2 =	vld [tilespmem:s22+$0x20]  }
0x80: {  	v3 =	vld [tilespmem:s23+$0x20];
	_ =	sdelay $0x3  }
0x81: {  	s25 =	sadd.s32 $0xFFFFFFF0, s20;
	v2 =	vshll.u32 v2, $0x4  }
0x82: {  	p1 =	slt.u32 s25, $0x4E20;
	v2 =	vadd.s32 v3, v2  }
0x83: {  	v2 =	vpsel !p1, $0x27100, v2  }
0x84: {  	[tilespmem:s21+$0x20] =	vst v2  }
0x85: {  	v2 =	vld [tilespmem:s22+$0x30]  }
0x86: {  	v3 =	vld [tilespmem:s23+$0x30];
	_ =	sdelay $0x3  }
.Ltmp1:
0x87: {  	v2 =	vshll.u32 v2, $0x4;
	(pc) =	sbr.rel @p0 .LBB2_4-.Ltmp1, $4  }
0x88: {  	p1 =	slt.u32 s20, $0x4E20;
	s20 =	smov.u32 s24;
	v2 =	vadd.s32 v3, v2  }
0x89: {  	v2 =	vpsel !p1, $0x27100, v2  }
0x8a: {  	s22 =	sadd.s32 $0x80, s22;
	[tilespmem:s21+$0x30] =	vst v2  }
0x8b: {  	s24 =	sadd.s32 $0x80, s24;
	s23 =	sadd.s32 $0x80, s23;
	v2 =	vld [tilespmem:s22+$0xFFFFFFC0]  }
0x8c: {  	v3 =	vld [tilespmem:s23+$0xFFFFFFC0];
	_ =	sdelay $0x3  }
0x8d: {  	s24 =	sadd.s32 $0xFFFFFF90, s20;
	v2 =	vshll.u32 v2, $0x4  }
0x8e: {  	p0 =	slt.u32 s24, $0x4E20;
	v2 =	vadd.s32 v3, v2  }
0x8f: {  	s21 =	sadd.s32 $0x80, s21;
	v2 =	vpsel !p0, $0x27100, v2  }
0x90: {  	[tilespmem:s21+$0xFFFFFFC0] =	vst v2  }
0x91: {  	v2 =	vld [tilespmem:s22+$0xFFFFFFD0]  }
0x92: {  	v3 =	vld [tilespmem:s23+$0xFFFFFFD0];
	_ =	sdelay $0x3  }
0x93: {  	s25 =	sadd.s32 $0xFFFFFFA0, s20;
	v2 =	vshll.u32 v2, $0x4  }
0x94: {  	p6 =	slt.u32 s25, $0x4E20;
	v2 =	vadd.s32 v3, v2  }
0x95: {  	v2 =	vpsel !p6, $0x27100, v2  }
0x96: {  	[tilespmem:s21+$0xFFFFFFD0] =	vst v2  }
0x97: {  	v2 =	vld [tilespmem:s22+$0xFFFFFFE0]  }
0x98: {  	v3 =	vld [tilespmem:s23+$0xFFFFFFE0];
	_ =	sdelay $0x3  }
0x99: {  	s26 =	sadd.s32 $0xFFFFFFB0, s20;
	v2 =	vshll.u32 v2, $0x4  }
0x9a: {  	p1 =	slt.u32 s26, $0x4E20;
	v2 =	vadd.s32 v3, v2  }
0x9b: {  	v2 =	vpsel !p1, $0x27100, v2  }
0x9c: {  	[tilespmem:s21+$0xFFFFFFE0] =	vst v2  }
0x9d: {  	v2 =	vld [tilespmem:s22+$0xFFFFFFF0]  }
0x9e: {  	v3 =	vld [tilespmem:s23+$0xFFFFFFF0];
	_ =	sdelay $0x3  }
0x9f: {  	s28 =	sadd.s32 $0xFFFFFFC0, s20;
	v2 =	vshll.u32 v2, $0x4  }
0xa0: {  	p2 =	slt.u32 s28, $0x4E20;
	v2 =	vadd.s32 v3, v2  }
0xa1: {  	v2 =	vpsel !p2, $0x27100, v2  }
0xa2: {  	[tilespmem:s21+$0xFFFFFFF0] =	vst v2  }
0xa3: {  	v2 =	vld [tilespmem:s22+$0x0]  }
0xa4: {  	v3 =	vld [tilespmem:s23+$0x0];
	_ =	sdelay $0x3  }
0xa5: {  	s29 =	sadd.s32 $0xFFFFFFD0, s20;
	v2 =	vshll.u32 v2, $0x4  }
0xa6: {  	p3 =	slt.u32 s29, $0x4E20;
	v2 =	vadd.s32 v3, v2  }
0xa7: {  	v2 =	vpsel !p3, $0x27100, v2  }
0xa8: {  	[tilespmem:s21+$0x0] =	vst v2  }
0xa9: {  	v2 =	vld [tilespmem:s22+$0x10]  }
0xaa: {  	v3 =	vld [tilespmem:s23+$0x10];
	_ =	sdelay $0x3  }
0xab: {  	s30 =	sadd.s32 $0xFFFFFFE0, s20;
	v2 =	vshll.u32 v2, $0x4  }
0xac: {  	p4 =	slt.u32 s30, $0x4E20;
	v2 =	vadd.s32 v3, v2  }
0xad: {  	v2 =	vpsel !p4, $0x27100, v2  }
0xae: {  	[tilespmem:s21+$0x10] =	vst v2  }
0xaf: {  	v2 =	vld [tilespmem:s22+$0x20]  }
0xb0: {  	v3 =	vld [tilespmem:s23+$0x20];
	_ =	sdelay $0x3  }
0xb1: {  	s31 =	sadd.s32 $0xFFFFFFF0, s20;
	v2 =	vshll.u32 v2, $0x4  }
0xb2: {  	p5 =	slt.u32 s31, $0x4E20;
	v2 =	vadd.s32 v3, v2  }
0xb3: {  	v2 =	vpsel !p5, $0x27100, v2  }
0xb4: {  	[tilespmem:s21+$0x20] =	vst v2  }
0xb5: {  	v2 =	vld [tilespmem:s22+$0x30]  }
0xb6: {  	v3 =	vld [tilespmem:s23+$0x30];
	_ =	sdelay $0x3  }
0xb7: {  	v2 =	vshll.u32 v2, $0x4  }
0xb8: {  	p6 =	slt.u32 s20, $0x4E20;
	v2 =	vadd.s32 v3, v2  }
0xb9: {  	v2 =	vpsel !p6, $0x27100, v2  }
0xba: {  	s23 =	simm.s32 $0xC420;
	[tilespmem:s21+$0x30] =	vst v2  }
0xbb: {  	[spmem:s1] =	stream.indirect.scatter.add.f32 [tilespmem:s16], [sflag:$0x1], $0x1, s23, s15, $0xb8;
	[tilespmem:$0x16420] =	vst v63  }
0xbc: {  	s24 =	simm.s32 $0xC4A0  }
0xbd: {  	[spmem:s1] =	stream.indirect.scatter.add.f32 [tilespmem:s16], [sflag:$0x1], $0x1, s24, s15, $0xb8;
	[tilespmem:$0x16420] =	vst v63  }
0xbe: {  	s25 =	simm.s32 $0xC520  }
0xbf: {  	[spmem:s1] =	stream.indirect.scatter.add.f32 [tilespmem:s16], [sflag:$0x1], $0x1, s25, s15, $0xb8;
	[tilespmem:$0x16420] =	vst v63  }
0xc0: {  	s26 =	simm.s32 $0xC5A0  }
0xc1: {  	[spmem:s1] =	stream.indirect.scatter.add.f32 [tilespmem:s16], [sflag:$0x1], $0x1, s26, s15, $0xb8;
	[tilespmem:$0x16420] =	vst v63  }
0xc2: {  	s28 =	simm.s32 $0xC620  }
0xc3: {  	[spmem:s1] =	stream.indirect.scatter.add.f32 [tilespmem:s16], [sflag:$0x1], $0x1, s28, s15, $0xb8;
	[tilespmem:$0x16420] =	vst v63  }
0xc4: {  	s29 =	simm.s32 $0xC6A0  }
0xc5: {  	[spmem:s1] =	stream.indirect.scatter.add.f32 [tilespmem:s16], [sflag:$0x1], $0x1, s29, s15, $0xb8;
	[tilespmem:$0x16420] =	vst v63  }
0xc6: {  	s30 =	simm.s32 $0xC720  }
0xc7: {  	[spmem:s1] =	stream.indirect.scatter.add.f32 [tilespmem:s16], [sflag:$0x1], $0x1, s30, s15, $0xb8;
	[tilespmem:$0x16420] =	vst v63  }
0xc8: {  	s31 =	simm.s32 $0xC7A0  }
0xc9: {  	[spmem:s1] =	stream.indirect.scatter.add.f32 [tilespmem:s16], [sflag:$0x1], $0x1, s31, s15, $0xb8;
	[tilespmem:$0x16420] =	vst v63  }
0xca: {  	_ =	swait.ge [sflag:s17], $0x80  }
0xcb: {  	[sflag:s17] =	ssyncset.done $0x0  }
0xcc: {  	[sflag:s17] =	ssyncadd.s32 $0xFFFFFF80  }
0xcd: {  	_ =	swait.ge [sflag:s17], $0x80  }
0xce: {  	[sflag:s17] =	ssyncset.done $0x0  }
0xcf: {  	[sflag:s17] =	ssyncadd.s32 $0xFFFFFF80  }
0xd0: {  	_ =	swait.ge [sflag:s17], $0x80  }
0xd1: {  	[sflag:s17] =	ssyncset.done $0x0  }
0xd2: {  	[sflag:s17] =	ssyncadd.s32 $0xFFFFFF80  }
0xd3: {  	_ =	swait.ge [sflag:s17], $0x80  }
0xd4: {  	[sflag:s17] =	ssyncset.done $0x0  }
0xd5: {  	[sflag:s17] =	ssyncadd.s32 $0xFFFFFF80  }
0xd6: {  	_ =	swait.ge [sflag:s17], $0x80  }
0xd7: {  	[sflag:s17] =	ssyncset.done $0x0  }
0xd8: {  	[sflag:s17] =	ssyncadd.s32 $0xFFFFFF80  }
0xd9: {  	_ =	swait.ge [sflag:s17], $0x80  }
0xda: {  	[sflag:s17] =	ssyncset.done $0x0  }
0xdb: {  	[sflag:s17] =	ssyncadd.s32 $0xFFFFFF80  }
0xdc: {  	_ =	swait.ge [sflag:s17], $0x80  }
0xdd: {  	[sflag:s17] =	ssyncset.done $0x0  }
0xde: {  	[sflag:s17] =	ssyncadd.s32 $0xFFFFFF80  }
0xdf: {  	_ =	swait.ge [sflag:s17], $0x80  }
0xe0: {  	s22 =	simm.s32 $0x400;
	s23 =	simm.s32 $0x2000;
	[sflag:s17] =	ssyncset.done $0x0  }
.LBB2_6:
0xe1: {  	s24 =	sadd.s32 $0xC420, s22  }
0xe2: {  	[sflag:s17] =	ssyncadd.s32 $0xFFFFFF80;
	s21 =	smov.u32 s23;
	s20 =	sadd.s32 $0x1000, s23  }
0xe3: {  	[spmem:s1] =	stream.indirect.scatter.add.f32 [tilespmem:s16], [sflag:$0x1], $0x1, s24, s15, $0xb8;
	[tilespmem:$0x16420] =	vst v63  }
0xe4: {  	p0 =	sne.s32 s23, $0x13000;
	s23 =	sadd.s32 $0xC4A0, s22  }
0xe5: {  	[spmem:s1] =	stream.indirect.scatter.add.f32 [tilespmem:s16], [sflag:$0x1], $0x1, s23, s15, $0xb8;
	[tilespmem:$0x16420] =	vst v63  }
0xe6: {  	s23 =	sadd.s32 $0xC520, s22  }
0xe7: {  	[spmem:s1] =	stream.indirect.scatter.add.f32 [tilespmem:s16], [sflag:$0x1], $0x1, s23, s15, $0xb8;
	[tilespmem:$0x16420] =	vst v63  }
0xe8: {  	s23 =	sadd.s32 $0xC5A0, s22  }
0xe9: {  	[spmem:s1] =	stream.indirect.scatter.add.f32 [tilespmem:s16], [sflag:$0x1], $0x1, s23, s15, $0xb8;
	[tilespmem:$0x16420] =	vst v63  }
0xea: {  	s23 =	sadd.s32 $0xC620, s22  }
0xeb: {  	[spmem:s1] =	stream.indirect.scatter.add.f32 [tilespmem:s16], [sflag:$0x1], $0x1, s23, s15, $0xb8;
	[tilespmem:$0x16420] =	vst v63  }
0xec: {  	s23 =	sadd.s32 $0xC6A0, s22  }
0xed: {  	[spmem:s1] =	stream.indirect.scatter.add.f32 [tilespmem:s16], [sflag:$0x1], $0x1, s23, s15, $0xb8;
	[tilespmem:$0x16420] =	vst v63  }
0xee: {  	s23 =	sadd.s32 $0xC720, s22  }
0xef: {  	[spmem:s1] =	stream.indirect.scatter.add.f32 [tilespmem:s16], [sflag:$0x1], $0x1, s23, s15, $0xb8;
	[tilespmem:$0x16420] =	vst v63  }
0xf0: {  	s22 =	sadd.s32 $0xC7A0, s22  }
0xf1: {  	[spmem:s1] =	stream.indirect.scatter.add.f32 [tilespmem:s16], [sflag:$0x1], $0x1, s22, s15, $0xb8;
	[tilespmem:$0x16420] =	vst v63  }
0xf2: {  	_ =	swait.ge [sflag:s17], $0x80  }
0xf3: {  	[sflag:s17] =	ssyncset.done $0x0  }
0xf4: {  	[sflag:s17] =	ssyncadd.s32 $0xFFFFFF80  }
0xf5: {  	_ =	swait.ge [sflag:s17], $0x80  }
0xf6: {  	[sflag:s17] =	ssyncset.done $0x0  }
0xf7: {  	[sflag:s17] =	ssyncadd.s32 $0xFFFFFF80  }
0xf8: {  	_ =	swait.ge [sflag:s17], $0x80  }
0xf9: {  	[sflag:s17] =	ssyncset.done $0x0  }
0xfa: {  	[sflag:s17] =	ssyncadd.s32 $0xFFFFFF80  }
0xfb: {  	_ =	swait.ge [sflag:s17], $0x80  }
0xfc: {  	[sflag:s17] =	ssyncset.done $0x0  }
0xfd: {  	[sflag:s17] =	ssyncadd.s32 $0xFFFFFF80  }
0xfe: {  	_ =	swait.ge [sflag:s17], $0x80  }
0xff: {  	[sflag:s17] =	ssyncset.done $0x0  }
0x100: {  	[sflag:s17] =	ssyncadd.s32 $0xFFFFFF80  }
0x101: {  	_ =	swait.ge [sflag:s17], $0x80  }
0x102: {  	[sflag:s17] =	ssyncset.done $0x0  }
0x103: {  	[sflag:s17] =	ssyncadd.s32 $0xFFFFFF80  }
.Ltmp2:
0x104: {  	_ =	swait.ge [sflag:s17], $0x80;
	(pc) =	sbr.rel @p0 .LBB2_6-.Ltmp2, $4  }
0x105: {  	[sflag:s17] =	ssyncset.done $0x0  }
0x106: {  	[sflag:s17] =	ssyncadd.s32 $0xFFFFFF80  }
0x107: {  	_ =	swait.ge [sflag:s17], $0x80  }
0x108: {  	s23 =	smov.u32 s20;
	s22 =	sshra.s32 s21, $0x2;
	[sflag:s17] =	ssyncset.done $0x0  }
0x109: {  	s20 =	sadd.s32 $0xC420, s22;
	[sflag:s17] =	ssyncadd.s32 $0xFFFFFF80  }
0x10a: {  	[spmem:s1] =	stream.indirect.scatter.add.f32 [tilespmem:s16], [sflag:$0x1], $0x1, s20, s15, $0xb8;
	[tilespmem:$0x16420] =	vst v63  }
0x10b: {  	s21 =	sadd.s32 $0xC4A0, s22  }
0x10c: {  	[spmem:s1] =	stream.indirect.scatter.add.f32 [tilespmem:s16], [sflag:$0x1], $0x1, s21, s15, $0xb8;
	[tilespmem:$0x16420] =	vst v63  }
0x10d: {  	s23 =	sadd.s32 $0xC520, s22  }
0x10e: {  	[spmem:s1] =	stream.indirect.scatter.add.f32 [tilespmem:s16], [sflag:$0x1], $0x1, s23, s15, $0xb8;
	[tilespmem:$0x16420] =	vst v63  }
0x10f: {  	s24 =	sadd.s32 $0xC5A0, s22  }
0x110: {  	[spmem:s1] =	stream.indirect.scatter.add.f32 [tilespmem:s16], [sflag:$0x1], $0x1, s24, s15, $0xb8;
	[tilespmem:$0x16420] =	vst v63  }
0x111: {  	s25 =	sadd.s32 $0xC620, s22  }
0x112: {  	[spmem:s1] =	stream.indirect.scatter.add.f32 [tilespmem:s16], [sflag:$0x1], $0x1, s25, s15, $0xb8;
	[tilespmem:$0x16420] =	vst v63  }
0x113: {  	s26 =	sadd.s32 $0xC6A0, s22  }
0x114: {  	[spmem:s1] =	stream.indirect.scatter.add.f32 [tilespmem:s16], [sflag:$0x1], $0x1, s26, s15, $0xb8;
	[tilespmem:$0x16420] =	vst v63  }
0x115: {  	s28 =	sadd.s32 $0xC720, s22  }
0x116: {  	[spmem:s1] =	stream.indirect.scatter.add.f32 [tilespmem:s16], [sflag:$0x1], $0x1, s28, s15, $0xb8;
	[tilespmem:$0x16420] =	vst v63  }
0x117: {  	s29 =	sadd.s32 $0xC7A0, s22  }
0x118: {  	[spmem:s1] =	stream.indirect.scatter.add.f32 [tilespmem:s16], [sflag:$0x1], $0x1, s29, s15, $0xb8;
	[tilespmem:$0x16420] =	vst v63  }
0x119: {  	_ =	swait.ge [sflag:s17], $0x80  }
0x11a: {  	[sflag:s17] =	ssyncset.done $0x0  }
0x11b: {  	[sflag:s17] =	ssyncadd.s32 $0xFFFFFF80  }
0x11c: {  	_ =	swait.ge [sflag:s17], $0x80  }
0x11d: {  	[sflag:s17] =	ssyncset.done $0x0  }
0x11e: {  	[sflag:s17] =	ssyncadd.s32 $0xFFFFFF80  }
0x11f: {  	_ =	swait.ge [sflag:s17], $0x80  }
0x120: {  	[sflag:s17] =	ssyncset.done $0x0  }
0x121: {  	[sflag:s17] =	ssyncadd.s32 $0xFFFFFF80  }
0x122: {  	_ =	swait.ge [sflag:s17], $0x80  }
0x123: {  	[sflag:s17] =	ssyncset.done $0x0  }
0x124: {  	[sflag:s17] =	ssyncadd.s32 $0xFFFFFF80  }
0x125: {  	_ =	swait.ge [sflag:s17], $0x80  }
0x126: {  	[sflag:s17] =	ssyncset.done $0x0  }
0x127: {  	[sflag:s17] =	ssyncadd.s32 $0xFFFFFF80  }
0x128: {  	_ =	swait.ge [sflag:s17], $0x80  }
0x129: {  	[sflag:s17] =	ssyncset.done $0x0  }
0x12a: {  	[sflag:s17] =	ssyncadd.s32 $0xFFFFFF80  }
0x12b: {  	_ =	swait.ge [sflag:s17], $0x80  }
0x12c: {  	[sflag:s17] =	ssyncset.done $0x0  }
0x12d: {  	[sflag:s17] =	ssyncadd.s32 $0xFFFFFF80  }
0x12e: {  	_ =	swait.ge [sflag:s17], $0x80  }
0x12f: {  	[sflag:s17] =	ssyncset.done $0x0  }
0x130: {  	[sflag:s17] =	ssyncadd.s32 $0xFFFFFF80  }
0x131: {  	[bflag:$0x0] =	sbarrier.arrive $0xFFFF  }
0x132: {  	[tilespmem:s13], [sflag:$0x2] =	stream.linear.gather [hbm4b:s7+s3], $0x2710, $0x38;
	[tilespmem:$0x16420] =	vst v63  }
0x133: {  	_ =	swait.ge [sflag:s12], $0x2710  }
0x134: {  	[sflag:s12] =	ssyncset.done $0x0  }
0x135: {  	[sflag:s12] =	ssyncadd.s32 $0xFFFFD8F0  }
0x136: {  	[tilespmem:s14], [sflag:$0x2] =	stream.linear.gather [hbm4b:s8+s3], $0x2710, $0x38;
	[tilespmem:$0x16420] =	vst v63  }
0x137: {  	_ =	swait.ge [sflag:s12], $0x2710  }
0x138: {  	[sflag:s12] =	ssyncset.done $0x0  }
0x139: {  	s30 =	simm.s32 $0x2760;
	[sflag:s12] =	ssyncadd.s32 $0xFFFFD8F0  }
0x13a: {  	s31 =	simm.s32 $0x75E0;
	v2 =	vld [tilespmem:s30+$0xFFFFFFC0]  }
0x13b: {  	v3 =	vld [tilespmem:s31+$0xFFFFFFC0];
	_ =	sdelay $0x3  }
0x13c: {  	v2 =	vshll.u32 v2, $0x4  }
0x13d: {  	p0 =	por $0x1, $0x1;
	v2 =	vadd.s32 v3, v2  }
0x13e: {  	s21 =	simm.s32 $0xC460;
	v2 =	vpsel !p0, $0x27100, v2  }
0x13f: {  	[tilespmem:s21+$0xFFFFFFC0] =	vst v2  }
0x140: {  	v2 =	vld [tilespmem:s30+$0xFFFFFFD0]  }
0x141: {  	v3 =	vld [tilespmem:s31+$0xFFFFFFD0];
	_ =	sdelay $0x3  }
0x142: {  	v2 =	vshll.u32 v2, $0x4  }
0x143: {  	p6 =	por $0x1, $0x1;
	v2 =	vadd.s32 v3, v2  }
0x144: {  	v2 =	vpsel !p6, $0x27100, v2  }
0x145: {  	[tilespmem:s21+$0xFFFFFFD0] =	vst v2  }
0x146: {  	v2 =	vld [tilespmem:s30+$0xFFFFFFE0]  }
0x147: {  	v3 =	vld [tilespmem:s31+$0xFFFFFFE0];
	_ =	sdelay $0x3  }
0x148: {  	v2 =	vshll.u32 v2, $0x4  }
0x149: {  	p1 =	por $0x1, $0x1;
	v2 =	vadd.s32 v3, v2  }
0x14a: {  	v2 =	vpsel !p1, $0x27100, v2  }
0x14b: {  	[tilespmem:s21+$0xFFFFFFE0] =	vst v2  }
0x14c: {  	v2 =	vld [tilespmem:s30+$0xFFFFFFF0]  }
0x14d: {  	v3 =	vld [tilespmem:s31+$0xFFFFFFF0];
	_ =	sdelay $0x3  }
0x14e: {  	v2 =	vshll.u32 v2, $0x4  }
0x14f: {  	p2 =	por $0x1, $0x1;
	v2 =	vadd.s32 v3, v2  }
0x150: {  	v2 =	vpsel !p2, $0x27100, v2  }
0x151: {  	[tilespmem:s21+$0xFFFFFFF0] =	vst v2  }
0x152: {  	v2 =	vld [tilespmem:s30+$0x0]  }
0x153: {  	v3 =	vld [tilespmem:s31+$0x0];
	_ =	sdelay $0x3  }
0x154: {  	v2 =	vshll.u32 v2, $0x4  }
0x155: {  	p3 =	por $0x1, $0x1;
	v2 =	vadd.s32 v3, v2  }
0x156: {  	v2 =	vpsel !p3, $0x27100, v2  }
0x157: {  	[tilespmem:s21+$0x0] =	vst v2  }
0x158: {  	v2 =	vld [tilespmem:s30+$0x10]  }
0x159: {  	v3 =	vld [tilespmem:s31+$0x10];
	_ =	sdelay $0x3  }
0x15a: {  	v2 =	vshll.u32 v2, $0x4  }
0x15b: {  	p4 =	por $0x1, $0x1;
	v2 =	vadd.s32 v3, v2  }
0x15c: {  	v2 =	vpsel !p4, $0x27100, v2  }
0x15d: {  	[tilespmem:s21+$0x10] =	vst v2  }
0x15e: {  	v2 =	vld [tilespmem:s30+$0x20]  }
0x15f: {  	v3 =	vld [tilespmem:s31+$0x20];
	_ =	sdelay $0x3  }
0x160: {  	v2 =	vshll.u32 v2, $0x4  }
0x161: {  	p5 =	por $0x1, $0x1;
	v2 =	vadd.s32 v3, v2  }
0x162: {  	v2 =	vpsel !p5, $0x27100, v2  }
0x163: {  	[tilespmem:s21+$0x20] =	vst v2  }
0x164: {  	v2 =	vld [tilespmem:s30+$0x30]  }
0x165: {  	v3 =	vld [tilespmem:s31+$0x30];
	_ =	sdelay $0x3  }
0x166: {  	v2 =	vshll.u32 v2, $0x4  }
0x167: {  	p6 =	por $0x1, $0x1;
	v2 =	vadd.s32 v3, v2  }
0x168: {  	v2 =	vpsel !p6, $0x27100, v2  }
0x169: {  	s22 =	simm.s32 $0x27E0;
	[tilespmem:s21+$0x30] =	vst v2  }
0x16a: {  	s20 =	simm.s32 $0xF0;
	s23 =	simm.s32 $0x7660;
	s24 =	simm.s32 $0x170;
	v2 =	vld [tilespmem:s22+$0xFFFFFFC0]  }
.LBB2_8:
0x16b: {  	p0 =	sne.s32 s24, $0x27F0;
	v3 =	vld [tilespmem:s23+$0xFFFFFFC0];
	_ =	sdelay $0x3  }
0x16c: {  	s25 =	sadd.s32 $0xFFFFFF90, s20;
	v2 =	vshll.u32 v2, $0x4  }
0x16d: {  	p1 =	slt.u32 s25, $0x2710;
	v2 =	vadd.s32 v3, v2  }
0x16e: {  	s21 =	sadd.s32 $0x80, s21;
	v2 =	vpsel !p1, $0x27100, v2  }
0x16f: {  	[tilespmem:s21+$0xFFFFFFC0] =	vst v2  }
0x170: {  	v2 =	vld [tilespmem:s22+$0xFFFFFFD0]  }
0x171: {  	v3 =	vld [tilespmem:s23+$0xFFFFFFD0];
	_ =	sdelay $0x3  }
0x172: {  	s25 =	sadd.s32 $0xFFFFFFA0, s20;
	v2 =	vshll.u32 v2, $0x4  }
0x173: {  	p1 =	slt.u32 s25, $0x2710;
	v2 =	vadd.s32 v3, v2  }
0x174: {  	v2 =	vpsel !p1, $0x27100, v2  }
0x175: {  	[tilespmem:s21+$0xFFFFFFD0] =	vst v2  }
0x176: {  	v2 =	vld [tilespmem:s22+$0xFFFFFFE0]  }
0x177: {  	v3 =	vld [tilespmem:s23+$0xFFFFFFE0];
	_ =	sdelay $0x3  }
0x178: {  	s25 =	sadd.s32 $0xFFFFFFB0, s20;
	v2 =	vshll.u32 v2, $0x4  }
0x179: {  	p1 =	slt.u32 s25, $0x2710;
	v2 =	vadd.s32 v3, v2  }
0x17a: {  	v2 =	vpsel !p1, $0x27100, v2  }
0x17b: {  	[tilespmem:s21+$0xFFFFFFE0] =	vst v2  }
0x17c: {  	v2 =	vld [tilespmem:s22+$0xFFFFFFF0]  }
0x17d: {  	v3 =	vld [tilespmem:s23+$0xFFFFFFF0];
	_ =	sdelay $0x3  }
0x17e: {  	s25 =	sadd.s32 $0xFFFFFFC0, s20;
	v2 =	vshll.u32 v2, $0x4  }
0x17f: {  	p1 =	slt.u32 s25, $0x2710;
	v2 =	vadd.s32 v3, v2  }
0x180: {  	v2 =	vpsel !p1, $0x27100, v2  }
0x181: {  	[tilespmem:s21+$0xFFFFFFF0] =	vst v2  }
0x182: {  	v2 =	vld [tilespmem:s22+$0x0]  }
0x183: {  	v3 =	vld [tilespmem:s23+$0x0];
	_ =	sdelay $0x3  }
0x184: {  	s25 =	sadd.s32 $0xFFFFFFD0, s20;
	v2 =	vshll.u32 v2, $0x4  }
0x185: {  	p1 =	slt.u32 s25, $0x2710;
	v2 =	vadd.s32 v3, v2  }
0x186: {  	v2 =	vpsel !p1, $0x27100, v2  }
0x187: {  	[tilespmem:s21+$0x0] =	vst v2  }
0x188: {  	v2 =	vld [tilespmem:s22+$0x10]  }
0x189: {  	v3 =	vld [tilespmem:s23+$0x10];
	_ =	sdelay $0x3  }
0x18a: {  	s25 =	sadd.s32 $0xFFFFFFE0, s20;
	v2 =	vshll.u32 v2, $0x4  }
0x18b: {  	p1 =	slt.u32 s25, $0x2710;
	v2 =	vadd.s32 v3, v2  }
0x18c: {  	v2 =	vpsel !p1, $0x27100, v2  }
0x18d: {  	[tilespmem:s21+$0x10] =	vst v2  }
0x18e: {  	v2 =	vld [tilespmem:s22+$0x20]  }
0x18f: {  	v3 =	vld [tilespmem:s23+$0x20];
	_ =	sdelay $0x3  }
0x190: {  	s25 =	sadd.s32 $0xFFFFFFF0, s20;
	v2 =	vshll.u32 v2, $0x4  }
0x191: {  	p1 =	slt.u32 s25, $0x2710;
	v2 =	vadd.s32 v3, v2  }
0x192: {  	v2 =	vpsel !p1, $0x27100, v2  }
0x193: {  	[tilespmem:s21+$0x20] =	vst v2  }
0x194: {  	v2 =	vld [tilespmem:s22+$0x30]  }
0x195: {  	v3 =	vld [tilespmem:s23+$0x30];
	_ =	sdelay $0x3  }
.Ltmp3:
0x196: {  	v2 =	vshll.u32 v2, $0x4;
	(pc) =	sbr.rel @p0 .LBB2_8-.Ltmp3, $4  }
0x197: {  	p1 =	slt.u32 s20, $0x2710;
	s20 =	smov.u32 s24;
	v2 =	vadd.s32 v3, v2  }
0x198: {  	v2 =	vpsel !p1, $0x27100, v2  }
0x199: {  	s22 =	sadd.s32 $0x80, s22;
	[tilespmem:s21+$0x30] =	vst v2  }
0x19a: {  	s24 =	sadd.s32 $0x80, s24;
	s23 =	sadd.s32 $0x80, s23;
	v2 =	vld [tilespmem:s22+$0xFFFFFFC0]  }
0x19b: {  	v3 =	vld [tilespmem:s23+$0xFFFFFFC0];
	_ =	sdelay $0x3  }
0x19c: {  	s24 =	sadd.s32 $0xFFFFFF90, s20;
	v2 =	vshll.u32 v2, $0x4  }
0x19d: {  	p0 =	slt.u32 s24, $0x2710;
	v2 =	vadd.s32 v3, v2  }
0x19e: {  	s21 =	sadd.s32 $0x80, s21;
	v2 =	vpsel !p0, $0x27100, v2  }
0x19f: {  	[tilespmem:s21+$0xFFFFFFC0] =	vst v2  }
0x1a0: {  	v2 =	vld [tilespmem:s22+$0xFFFFFFD0]  }
0x1a1: {  	v3 =	vld [tilespmem:s23+$0xFFFFFFD0];
	_ =	sdelay $0x3  }
0x1a2: {  	s25 =	sadd.s32 $0xFFFFFFA0, s20;
	v2 =	vshll.u32 v2, $0x4  }
0x1a3: {  	p6 =	slt.u32 s25, $0x2710;
	v2 =	vadd.s32 v3, v2  }
0x1a4: {  	v2 =	vpsel !p6, $0x27100, v2  }
0x1a5: {  	[tilespmem:s21+$0xFFFFFFD0] =	vst v2  }
0x1a6: {  	v2 =	vld [tilespmem:s22+$0xFFFFFFE0]  }
0x1a7: {  	v3 =	vld [tilespmem:s23+$0xFFFFFFE0];
	_ =	sdelay $0x3  }
0x1a8: {  	s26 =	sadd.s32 $0xFFFFFFB0, s20;
	v2 =	vshll.u32 v2, $0x4  }
0x1a9: {  	p1 =	slt.u32 s26, $0x2710;
	v2 =	vadd.s32 v3, v2  }
0x1aa: {  	v2 =	vpsel !p1, $0x27100, v2  }
0x1ab: {  	[tilespmem:s21+$0xFFFFFFE0] =	vst v2  }
0x1ac: {  	v2 =	vld [tilespmem:s22+$0xFFFFFFF0]  }
0x1ad: {  	v3 =	vld [tilespmem:s23+$0xFFFFFFF0];
	_ =	sdelay $0x3  }
0x1ae: {  	s28 =	sadd.s32 $0xFFFFFFC0, s20;
	v2 =	vshll.u32 v2, $0x4  }
0x1af: {  	p2 =	slt.u32 s28, $0x2710;
	v2 =	vadd.s32 v3, v2  }
0x1b0: {  	v2 =	vpsel !p2, $0x27100, v2  }
0x1b1: {  	[tilespmem:s21+$0xFFFFFFF0] =	vst v2  }
0x1b2: {  	v2 =	vld [tilespmem:s22+$0x0]  }
0x1b3: {  	v3 =	vld [tilespmem:s23+$0x0];
	_ =	sdelay $0x3  }
0x1b4: {  	s29 =	sadd.s32 $0xFFFFFFD0, s20;
	v2 =	vshll.u32 v2, $0x4  }
0x1b5: {  	p3 =	slt.u32 s29, $0x2710;
	v2 =	vadd.s32 v3, v2  }
0x1b6: {  	v2 =	vpsel !p3, $0x27100, v2  }
0x1b7: {  	[tilespmem:s21+$0x0] =	vst v2  }
0x1b8: {  	v2 =	vld [tilespmem:s22+$0x10]  }
0x1b9: {  	v3 =	vld [tilespmem:s23+$0x10];
	_ =	sdelay $0x3  }
0x1ba: {  	s30 =	sadd.s32 $0xFFFFFFE0, s20;
	v2 =	vshll.u32 v2, $0x4  }
0x1bb: {  	p4 =	slt.u32 s30, $0x2710;
	v2 =	vadd.s32 v3, v2  }
0x1bc: {  	v2 =	vpsel !p4, $0x27100, v2  }
0x1bd: {  	[tilespmem:s21+$0x10] =	vst v2  }
0x1be: {  	v2 =	vld [tilespmem:s22+$0x20]  }
0x1bf: {  	v3 =	vld [tilespmem:s23+$0x20];
	_ =	sdelay $0x3  }
0x1c0: {  	s31 =	sadd.s32 $0xFFFFFFF0, s20;
	v2 =	vshll.u32 v2, $0x4  }
0x1c1: {  	p5 =	slt.u32 s31, $0x2710;
	v2 =	vadd.s32 v3, v2  }
0x1c2: {  	v2 =	vpsel !p5, $0x27100, v2  }
0x1c3: {  	[tilespmem:s21+$0x20] =	vst v2  }
0x1c4: {  	v2 =	vld [tilespmem:s22+$0x30]  }
0x1c5: {  	v3 =	vld [tilespmem:s23+$0x30];
	_ =	sdelay $0x1  }
0x1c6: {  	p1 =	por $0x1, $0x1  }
.Ltmp4:
0x1c7: {  	_ = 	snop;
	(pc) =	sbr.rel @!p1 .LBB2_12-.Ltmp4, $4  }
0x1c8: {  	v2 =	vshll.u32 v2, $0x4  }
0x1c9: {  	p6 =	slt.u32 s20, $0x2710;
	v2 =	vadd.s32 v3, v2  }
0x1ca: {  	v2 =	vpsel !p6, $0x27100, v2  }
0x1cb: {  	p0 =	por $0x0, $0x0;
	s22 =	simm.s32 $0x0;
	[tilespmem:s21+$0x30] =	vst v2  }
0x1cc: {  	s20 =	simm.s32 $0x13C20;
	s21 =	simm.s32 $0xC420  }
0x1cd: {  	[tilespmem:s20], [sflag:$0x1] =	stream.indirect.gather [spmem:s1], $0x1, s21, s15, $0xb8;
	[tilespmem:$0x16420] =	vst v63  }
0x1ce: {  	s28 =	simm.s32 $0x13CA0;
	s29 =	simm.s32 $0xC4A0  }
0x1cf: {  	[tilespmem:s28], [sflag:$0x1] =	stream.indirect.gather [spmem:s1], $0x1, s29, s15, $0xb8;
	[tilespmem:$0x16420] =	vst v63  }
0x1d0: {  	s30 =	simm.s32 $0x13D20;
	s31 =	simm.s32 $0xC520  }
0x1d1: {  	[tilespmem:s30], [sflag:$0x1] =	stream.indirect.gather [spmem:s1], $0x1, s31, s15, $0xb8;
	[tilespmem:$0x16420] =	vst v63  }
0x1d2: {  	s22 =	simm.s32 $0xC5A0;
	s21 =	simm.s32 $0x13DA0  }
0x1d3: {  	[tilespmem:s21], [sflag:$0x1] =	stream.indirect.gather [spmem:s1], $0x1, s22, s15, $0xb8;
	[tilespmem:$0x16420] =	vst v63  }
0x1d4: {  	s23 =	simm.s32 $0x13E20;
	s24 =	simm.s32 $0xC620  }
0x1d5: {  	[tilespmem:s23], [sflag:$0x1] =	stream.indirect.gather [spmem:s1], $0x1, s24, s15, $0xb8;
	[tilespmem:$0x16420] =	vst v63  }
0x1d6: {  	s25 =	simm.s32 $0x13EA0;
	s26 =	simm.s32 $0xC6A0  }
0x1d7: {  	[tilespmem:s25], [sflag:$0x1] =	stream.indirect.gather [spmem:s1], $0x1, s26, s15, $0xb8;
	[tilespmem:$0x16420] =	vst v63  }
0x1d8: {  	s28 =	simm.s32 $0x13F20;
	s29 =	simm.s32 $0xC720  }
0x1d9: {  	[tilespmem:s28], [sflag:$0x1] =	stream.indirect.gather [spmem:s1], $0x1, s29, s15, $0xb8;
	[tilespmem:$0x16420] =	vst v63  }
0x1da: {  	s30 =	simm.s32 $0x13FA0;
	s31 =	simm.s32 $0xC7A0  }
0x1db: {  	[tilespmem:s30], [sflag:$0x1] =	stream.indirect.gather [spmem:s1], $0x1, s31, s15, $0xb8;
	[tilespmem:$0x16420] =	vst v63  }
0x1dc: {  	_ =	swait.ge [sflag:s17], $0x80  }
0x1dd: {  	[sflag:s17] =	ssyncset.done $0x0  }
0x1de: {  	[sflag:s17] =	ssyncadd.s32 $0xFFFFFF80  }
0x1df: {  	_ =	swait.ge [sflag:s17], $0x80  }
0x1e0: {  	[sflag:s17] =	ssyncset.done $0x0  }
0x1e1: {  	[sflag:s17] =	ssyncadd.s32 $0xFFFFFF80  }
0x1e2: {  	_ =	swait.ge [sflag:s17], $0x80  }
0x1e3: {  	[sflag:s17] =	ssyncset.done $0x0  }
0x1e4: {  	[sflag:s17] =	ssyncadd.s32 $0xFFFFFF80  }
0x1e5: {  	_ =	swait.ge [sflag:s17], $0x80  }
0x1e6: {  	[sflag:s17] =	ssyncset.done $0x0  }
0x1e7: {  	[sflag:s17] =	ssyncadd.s32 $0xFFFFFF80  }
0x1e8: {  	_ =	swait.ge [sflag:s17], $0x80  }
0x1e9: {  	[sflag:s17] =	ssyncset.done $0x0  }
0x1ea: {  	[sflag:s17] =	ssyncadd.s32 $0xFFFFFF80  }
0x1eb: {  	_ =	swait.ge [sflag:s17], $0x80  }
0x1ec: {  	[sflag:s17] =	ssyncset.done $0x0  }
0x1ed: {  	p1 =	por $0x1, $0x1;
	[sflag:s17] =	ssyncadd.s32 $0xFFFFFF80  }
.Ltmp5:
0x1ee: {  	_ =	swait.ge [sflag:s17], $0x80;
	(pc) =	sbr.rel @!p1 .LBB2_12-.Ltmp5, $4  }
0x1ef: {  	[sflag:s17] =	ssyncset.done $0x0  }
0x1f0: {  	[sflag:s17] =	ssyncadd.s32 $0xFFFFFF80  }
0x1f1: {  	p0 =	por $0x1, $0x1;
	_ =	swait.ge [sflag:s17], $0x80  }
0x1f2: {  	s22 =	simm.s32 $0x400;
	s23 =	simm.s32 $0x2000;
	[sflag:s17] =	ssyncset.done $0x0  }
.LBB2_11:
0x1f3: {  	s21 =	sadd.s32 $0x13C20, s22  }
0x1f4: {  	s24 =	sadd.s32 $0xC420, s22;
	[sflag:s17] =	ssyncadd.s32 $0xFFFFFF80;
	s20 =	smov.u32 s23  }
0x1f5: {  	[tilespmem:s21], [sflag:$0x1] =	stream.indirect.gather [spmem:s1], $0x1, s24, s15, $0xb8;
	[tilespmem:$0x16420] =	vst v63  }
0x1f6: {  	s25 =	sadd.s32 $0xC4A0, s22;
	s21 =	sadd.s32 $0x1000, s23;
	s24 =	sadd.s32 $0x13CA0, s22  }
0x1f7: {  	[tilespmem:s24], [sflag:$0x1] =	stream.indirect.gather [spmem:s1], $0x1, s25, s15, $0xb8;
	[tilespmem:$0x16420] =	vst v63  }
0x1f8: {  	p1 =	sne.s32 s23, $0x9000;
	s23 =	sadd.s32 $0x13D20, s22;
	s24 =	sadd.s32 $0xC520, s22  }
0x1f9: {  	[tilespmem:s23], [sflag:$0x1] =	stream.indirect.gather [spmem:s1], $0x1, s24, s15, $0xb8;
	[tilespmem:$0x16420] =	vst v63  }
0x1fa: {  	s23 =	sadd.s32 $0x13DA0, s22;
	s24 =	sadd.s32 $0xC5A0, s22  }
0x1fb: {  	[tilespmem:s23], [sflag:$0x1] =	stream.indirect.gather [spmem:s1], $0x1, s24, s15, $0xb8;
	[tilespmem:$0x16420] =	vst v63  }
0x1fc: {  	s23 =	sadd.s32 $0x13E20, s22;
	s24 =	sadd.s32 $0xC620, s22  }
0x1fd: {  	[tilespmem:s23], [sflag:$0x1] =	stream.indirect.gather [spmem:s1], $0x1, s24, s15, $0xb8;
	[tilespmem:$0x16420] =	vst v63  }
0x1fe: {  	s23 =	sadd.s32 $0x13EA0, s22;
	s24 =	sadd.s32 $0xC6A0, s22  }
0x1ff: {  	[tilespmem:s23], [sflag:$0x1] =	stream.indirect.gather [spmem:s1], $0x1, s24, s15, $0xb8;
	[tilespmem:$0x16420] =	vst v63  }
0x200: {  	s23 =	sadd.s32 $0x13F20, s22;
	s24 =	sadd.s32 $0xC720, s22  }
0x201: {  	[tilespmem:s23], [sflag:$0x1] =	stream.indirect.gather [spmem:s1], $0x1, s24, s15, $0xb8;
	[tilespmem:$0x16420] =	vst v63  }
0x202: {  	s23 =	sadd.s32 $0x13FA0, s22;
	s22 =	sadd.s32 $0xC7A0, s22  }
0x203: {  	[tilespmem:s23], [sflag:$0x1] =	stream.indirect.gather [spmem:s1], $0x1, s22, s15, $0xb8;
	[tilespmem:$0x16420] =	vst v63  }
0x204: {  	_ =	swait.ge [sflag:s17], $0x80  }
0x205: {  	[sflag:s17] =	ssyncset.done $0x0  }
0x206: {  	[sflag:s17] =	ssyncadd.s32 $0xFFFFFF80  }
0x207: {  	_ =	swait.ge [sflag:s17], $0x80  }
0x208: {  	[sflag:s17] =	ssyncset.done $0x0  }
0x209: {  	[sflag:s17] =	ssyncadd.s32 $0xFFFFFF80  }
0x20a: {  	_ =	swait.ge [sflag:s17], $0x80  }
0x20b: {  	[sflag:s17] =	ssyncset.done $0x0  }
0x20c: {  	[sflag:s17] =	ssyncadd.s32 $0xFFFFFF80  }
0x20d: {  	_ =	swait.ge [sflag:s17], $0x80  }
0x20e: {  	[sflag:s17] =	ssyncset.done $0x0  }
0x20f: {  	[sflag:s17] =	ssyncadd.s32 $0xFFFFFF80  }
0x210: {  	_ =	swait.ge [sflag:s17], $0x80  }
0x211: {  	[sflag:s17] =	ssyncset.done $0x0  }
0x212: {  	[sflag:s17] =	ssyncadd.s32 $0xFFFFFF80  }
0x213: {  	_ =	swait.ge [sflag:s17], $0x80  }
0x214: {  	[sflag:s17] =	ssyncset.done $0x0  }
0x215: {  	[sflag:s17] =	ssyncadd.s32 $0xFFFFFF80  }
.Ltmp6:
0x216: {  	_ =	swait.ge [sflag:s17], $0x80;
	(pc) =	sbr.rel @p1 .LBB2_11-.Ltmp6, $4  }
0x217: {  	[sflag:s17] =	ssyncset.done $0x0  }
0x218: {  	[sflag:s17] =	ssyncadd.s32 $0xFFFFFF80  }
0x219: {  	_ =	swait.ge [sflag:s17], $0x80  }
0x21a: {  	s22 =	sshra.s32 s20, $0x2;
	s23 =	smov.u32 s21;
	[sflag:s17] =	ssyncset.done $0x0  }
.LBB2_12:
0x21b: {  	s20 =	sadd.s32 $0x13C20, s22;
	s21 =	sadd.s32 $0xC420, s22;
	[sflag:s17] =	ssyncadd.s32 @p0 $0xFFFFFF80  }
0x21c: {  	[tilespmem:s20], [sflag:$0x1] =	stream.indirect.gather [spmem:s1], $0x1, s21, s15, $0xb8;
	[tilespmem:$0x16420] =	vst v63  }
0x21d: {  	s25 =	sadd.s32 $0x13CA0, s22;
	s26 =	sadd.s32 $0xC4A0, s22  }
0x21e: {  	[tilespmem:s25], [sflag:$0x1] =	stream.indirect.gather [spmem:s1], $0x1, s26, s15, $0xb8;
	[tilespmem:$0x16420] =	vst v63  }
0x21f: {  	s28 =	sadd.s32 $0x13D20, s22;
	s29 =	sadd.s32 $0xC520, s22  }
0x220: {  	[tilespmem:s28], [sflag:$0x1] =	stream.indirect.gather [spmem:s1], $0x1, s29, s15, $0xb8;
	[tilespmem:$0x16420] =	vst v63  }
0x221: {  	s30 =	sadd.s32 $0x13DA0, s22;
	s31 =	sadd.s32 $0xC5A0, s22  }
0x222: {  	[tilespmem:s30], [sflag:$0x1] =	stream.indirect.gather [spmem:s1], $0x1, s31, s15, $0xb8;
	[tilespmem:$0x16420] =	vst v63  }
0x223: {  	s23 =	sadd.s32 $0x13E20, s22;
	s24 =	sadd.s32 $0xC620, s22  }
0x224: {  	[tilespmem:s23], [sflag:$0x1] =	stream.indirect.gather [spmem:s1], $0x1, s24, s15, $0xb8;
	[tilespmem:$0x16420] =	vst v63  }
0x225: {  	s25 =	sadd.s32 $0x13EA0, s22;
	s26 =	sadd.s32 $0xC6A0, s22  }
0x226: {  	[tilespmem:s25], [sflag:$0x1] =	stream.indirect.gather [spmem:s1], $0x1, s26, s15, $0xb8;
	[tilespmem:$0x16420] =	vst v63  }
0x227: {  	s28 =	sadd.s32 $0x13F20, s22;
	s29 =	sadd.s32 $0xC720, s22  }
0x228: {  	[tilespmem:s28], [sflag:$0x1] =	stream.indirect.gather [spmem:s1], $0x1, s29, s15, $0xb8;
	[tilespmem:$0x16420] =	vst v63  }
0x229: {  	s30 =	sadd.s32 $0x13FA0, s22;
	s31 =	sadd.s32 $0xC7A0, s22  }
0x22a: {  	[tilespmem:s30], [sflag:$0x1] =	stream.indirect.gather [spmem:s1], $0x1, s31, s15, $0xb8;
	[tilespmem:$0x16420] =	vst v63  }
0x22b: {  	_ =	swait.ge [sflag:s17], $0x80  }
0x22c: {  	[sflag:s17] =	ssyncset.done $0x0  }
0x22d: {  	[sflag:s17] =	ssyncadd.s32 $0xFFFFFF80  }
0x22e: {  	_ =	swait.ge [sflag:s17], $0x80  }
0x22f: {  	[sflag:s17] =	ssyncset.done $0x0  }
0x230: {  	[sflag:s17] =	ssyncadd.s32 $0xFFFFFF80  }
0x231: {  	_ =	swait.ge [sflag:s17], $0x80  }
0x232: {  	[sflag:s17] =	ssyncset.done $0x0  }
0x233: {  	[sflag:s17] =	ssyncadd.s32 $0xFFFFFF80  }
0x234: {  	_ =	swait.ge [sflag:s17], $0x80  }
0x235: {  	[sflag:s17] =	ssyncset.done $0x0  }
0x236: {  	[sflag:s17] =	ssyncadd.s32 $0xFFFFFF80  }
0x237: {  	_ =	swait.ge [sflag:s17], $0x80  }
0x238: {  	[sflag:s17] =	ssyncset.done $0x0  }
0x239: {  	[sflag:s17] =	ssyncadd.s32 $0xFFFFFF80  }
0x23a: {  	_ =	swait.ge [sflag:s17], $0x80  }
0x23b: {  	[sflag:s17] =	ssyncset.done $0x0  }
0x23c: {  	[sflag:s17] =	ssyncadd.s32 $0xFFFFFF80  }
0x23d: {  	_ =	swait.ge [sflag:s17], $0x80  }
0x23e: {  	[sflag:s17] =	ssyncset.done $0x0  }
0x23f: {  	[sflag:s17] =	ssyncadd.s32 $0xFFFFFF80  }
0x240: {  	_ =	swait.ge [sflag:s17], $0x80  }
0x241: {  	[sflag:s17] =	ssyncset.done $0x0  }
0x242: {  	s20 =	simm.s32 $0x0;
	[sflag:s17] =	ssyncadd.s32 $0xFFFFFF80  }
0x243: {  	v4 =	vld [tilespmem:s20+$0x13C20]  }
0x244: {  	p0 =	por $0x1, $0x1;
	v6 =	vld [tilespmem:s20+$0x13C30]  }
.Ltmp7:
0x245: {  	v5 =	vld [tilespmem:s20+$0x13C40];
	(pc) =	sbr.rel @!p0 .LBB2_14-.Ltmp7, $4  }
0x246: {  	v3 =	vld [tilespmem:s20+$0x13C50]  }
0x247: {  	v2 =	vld [tilespmem:s20+$0x13C60]  }
0x248: {  	v7 =	vmax.f32 v4, $1.000000000e+00;
	v4 =	vld [tilespmem:s20+$0x13C70]  }
0x249: {  	s21 =	simm.s32 $0x200;
	[tilespmem:s20+$0x13C20] =	vst v7;
	v7 =	vmax.f32 v6, $1.000000000e+00;
	v6 =	vld [tilespmem:s20+$0x13C80]  }
.LBB2_13:
0x24a: {  	s22 =	sshra.s32 s21, $0x2;
	p0 =	sne.s32 s21, $0x9E00;
	[tilespmem:s20+$0x13C30] =	vst v7;
	v5 =	vmax.f32 v5, $1.000000000e+00;
	v7 =	vld [tilespmem:s20+$0x13C90]  }
0x24b: {  	v8 =	vld [tilespmem:s22+$0x13C20];
	[tilespmem:s20+$0x13C40] =	vst v5;
	v3 =	vmax.f32 v3, $1.000000000e+00  }
0x24c: {  	v9 =	vld [tilespmem:s22+$0x13C30];
	[tilespmem:s20+$0x13C50] =	vst v3;
	v2 =	vmax.f32 v2, $1.000000000e+00  }
.Ltmp8:
0x24d: {  	v5 =	vld [tilespmem:s22+$0x13C40];
	[tilespmem:s20+$0x13C60] =	vst v2;
	v2 =	vmax.f32 v4, $1.000000000e+00;
	(pc) =	sbr.rel @p0 .LBB2_13-.Ltmp8, $4  }
0x24e: {  	v3 =	vld [tilespmem:s22+$0x13C50];
	[tilespmem:s20+$0x13C70] =	vst v2;
	v4 =	vmax.f32 v6, $1.000000000e+00  }
0x24f: {  	v2 =	vld [tilespmem:s22+$0x13C60];
	[tilespmem:s20+$0x13C80] =	vst v4;
	v6 =	vmax.f32 v7, $1.000000000e+00  }
0x250: {  	v7 =	vmax.f32 v8, $1.000000000e+00;
	v4 =	vld [tilespmem:s22+$0x13C70];
	[tilespmem:s20+$0x13C90] =	vst v6;
	s20 =	smov.u32 s22  }
0x251: {  	s21 =	sadd.s32 $0x200, s21;
	[tilespmem:s20+$0x13C20] =	vst v7;
	v7 =	vmax.f32 v9, $1.000000000e+00;
	v6 =	vld [tilespmem:s20+$0x13C80]  }
.LBB2_14:
0x252: {  	[tilespmem:s20+$0x13C30] =	vst v7;
	v5 =	vmax.f32 v5, $1.000000000e+00;
	v63 =	vld [tilespmem:s20+$0x13C90]  }
0x253: {  	[tilespmem:s20+$0x13C40] =	vst v5;
	v3 =	vmax.f32 v3, $1.000000000e+00  }
0x254: {  	[tilespmem:s20+$0x13C50] =	vst v3;
	v2 =	vmax.f32 v2, $1.000000000e+00  }
0x255: {  	[tilespmem:s20+$0x13C60] =	vst v2;
	v2 =	vmax.f32 v4, $1.000000000e+00  }
0x256: {  	s19 =	sadd.s32 $0x1, s19;
	[tilespmem:s20+$0x13C70] =	vst v2;
	v2 =	vmax.f32 v6, $1.000000000e+00  }
0x257: {  	p0 =	sne.s32 s19, s10;
	[tilespmem:s20+$0x13C80] =	vst v2;
	v2 =	vmax.f32 v63, $1.000000000e+00  }
.Ltmp9:
0x258: {  	[tilespmem:s20+$0x13C90] =	vst v2;
	(pc) =	sbr.rel @p0 .LBB2_1-.Ltmp9, $4  }
0x259: {  	[hbm4b:s9+s3] =	stream.linear.scatter [tilespmem:s18], [sflag:$0x2], $0x2710, $0x38;
	[tilespmem:$0x16420] =	vst v63  }
0x25a: {  	_ =	swait.ge [sflag:s12], $0x2710  }
0x25b: {  	[sflag:s12] =	ssyncset.done $0x0  }
0x25c: {  	[sflag:s12] =	ssyncadd.s32 $0xFFFFD8F0  }
0x25d: {  	_ =	sfence.sel $0x180000  }
0x25e: {  	[bflag:$0x0] =	sbarrier.arrive $0xFFFF  }
0x25f: {  	p0 =	sne.s32 s2, $0x0;
	_ =	strace $0x90000047  }
0x260: {  	s0 =	sadd.s32 @!p0 $0x100000, s0;
	[bflag:$0x2] =	sbarrier.arrive $0xFFFF  }
0x261: {  	[sflag:s0] =	ssyncadd.tile.s32 @!p0 $0x1;
	_ =	shalt  }
.Lfunc_end2:
_tile_overlayer_lowered:
.L_overlay_start_2:
0x262: {  	(tag) =	ssettag $0x2  }
0x263: {  	s0 =	rddreg [dreg:$0x0];
	s2 =	stileid.u32  }
0x264: {  	s1 =	rddreg [dreg:$0x1];
	p0 =	sne.s32 s2, $0x0  }
0x265: {  	s3 =	rddreg [dreg:$0x2];
	[bflag:$0x3] =	sbarrier.arrive $0xFFFF;
	s2 =	simm.s32 @!p0 $0x1C02  }
0x266: {  	[timem:s3], [sflag:s2] =	dma.local @!p0 [hbm:s0], s1  }
0x267: {  	s0 =	simm.s32 @!p0 $0x2  }
0x268: {  	_ =	swait.ge @!p0 [sflag:s0], s1  }
0x269: {  	s1 =	ssub.s32 @!p0 $0x0, s1;
	[sflag:s0] =	ssyncset.done @!p0 $0x0  }
0x26a: {  	[sflag:s0] =	ssyncadd.s32 @!p0 s1  }
0x26b: {  	[bflag:$0x3] =	sbarrier.arrive $0xFFFF  }
0x26c: {  	_ =	shalt  }

</sc_bundles>
